<compile_context>
chip_gen: v7x
topology: tpu7x:2x2x1
jax: 0.10.2.dev20260603
libtpu: 0.0.44.dev20260713+nightly
codegen_flags: <defaults>
</compile_context>

<pallas_src>
import functools
import jax
import jax.numpy as jnp
from jax import lax
from jax.experimental import pallas as pl

_B, _D = 4, 128
_NL, _NP, _NG = 32768, 8192, 4096
_N = _NL + _NP + _NG
_K = 1024


def _score_body(src_id, sfull_ref, q_ref, stile_ref, w1a_ref, wrow_ref,
                b1_ref, erow_ref, w2_ref, b2_ref, keep_ref, snorm_ref):
    inf = jnp.float32(jnp.inf)
    s_row = sfull_ref[0, 0, :]
    if src_id == 0:
        st_row = jnp.log1p(s_row)
        valid_row = s_row > 0
    elif src_id == 1:
        st_row = s_row
        valid_row = s_row > 0
    else:
        st_row = s_row
        valid_row = jnp.ones_like(s_row, dtype=jnp.bool_)
    mn = jnp.min(jnp.where(valid_row, st_row, inf))
    mx = jnp.max(jnp.where(valid_row, st_row, -inf))
    any_valid = jnp.any(valid_row)
    rng = mx - mn
    degen = jnp.abs(rng) < 1e-6
    denom = jnp.where(degen, jnp.float32(1.0), rng)

    s_t = stile_ref[0, 0, :]
    if src_id == 0:
        st_t = jnp.log1p(s_t)
        valid_t = s_t > 0
    elif src_id == 1:
        st_t = s_t
        valid_t = s_t > 0
    else:
        st_t = s_t
        valid_t = jnp.ones_like(s_t, dtype=jnp.bool_)
    val = jnp.where(degen, jnp.float32(1.0), (st_t - mn) / denom)
    s_norm = jnp.where(valid_t & any_valid, val, jnp.float32(0.0))

    bf16 = jnp.bfloat16
    x = q_ref[0]
    xb = (x + erow_ref[0]).astype(bf16)
    sb = s_norm.astype(bf16)
    zx = jnp.zeros((xb.shape[0], 127), bf16)
    xcat = jnp.concatenate([xb, sb[:, None], zx], axis=1)
    w1b = w1a_ref[...].astype(bf16)
    wrowb = wrow_ref[0].astype(bf16)
    zw = jnp.zeros((127, _D), bf16)
    wcat = jnp.concatenate([w1b, wrowb[None, :], zw], axis=0)
    h = jnp.dot(xcat, wcat, preferred_element_type=jnp.float32)
    h = h + b1_ref[0]
    h = jnp.maximum(h, jnp.float32(0.0))
    hb = h.astype(bf16)
    w2b = w2_ref[...].astype(bf16)
    logit = jnp.dot(hb, w2b, preferred_element_type=jnp.float32)[:, 0]
    keep = logit + b2_ref[0, 0] + s_norm
    keep_ref[0, 0, :] = jnp.where(valid_t, keep, -inf)
    snorm_ref[0, 0, :] = s_norm


def _make_scorer(src_id, n_src, tile):
    grid = (_B, n_src // tile)
    f32 = jnp.float32
    return pl.pallas_call(
        functools.partial(_score_body, src_id),
        grid=grid,
        in_specs=[
            pl.BlockSpec((1, 1, n_src), lambda b, t: (b, 0, 0)),
            pl.BlockSpec((1, tile, _D), lambda b, t: (b, t, 0)),
            pl.BlockSpec((1, 1, tile), lambda b, t: (b, 0, t)),
            pl.BlockSpec((_D, _D), lambda b, t: (0, 0)),
            pl.BlockSpec((1, _D), lambda b, t: (0, 0)),
            pl.BlockSpec((1, _D), lambda b, t: (0, 0)),
            pl.BlockSpec((1, _D), lambda b, t: (0, 0)),
            pl.BlockSpec((_D, 1), lambda b, t: (0, 0)),
            pl.BlockSpec((1, 1), lambda b, t: (0, 0)),
        ],
        out_specs=[
            pl.BlockSpec((1, 1, tile), lambda b, t: (b, 0, t)),
            pl.BlockSpec((1, 1, tile), lambda b, t: (b, 0, t)),
        ],
        out_shape=[
            jax.ShapeDtypeStruct((_B, 1, n_src), f32),
            jax.ShapeDtypeStruct((_B, 1, n_src), f32),
        ],
    )


def kernel(lidar_queries, lidar_refs, lidar_scores, lidar_prior_labels,
           lidar_prior_scores, lidar_prior_valid_mask, proposal_queries,
           proposal_refs, proposal_scores, global_queries, global_refs,
           global_scores, source_embeddings, W1, b1, W2, b2):
    f32 = jnp.float32
    w1a = W1[:_D]
    wrow = W1[_D:_D + 1]
    b1r = b1[None, :]
    b2r = b2[None, :]

    ls3 = lidar_scores[:, None, :]
    ps3 = proposal_scores[:, None, :]
    gs3 = global_scores[:, None, :]
    keep_l, sn_l = _make_scorer(0, _NL, 2048)(
        ls3, lidar_queries, ls3, w1a, wrow, b1r,
        source_embeddings[0:1], W2, b2r)
    keep_p, sn_p = _make_scorer(1, _NP, 2048)(
        ps3, proposal_queries, ps3, w1a, wrow, b1r,
        source_embeddings[1:2], W2, b2r)
    keep_g, sn_g = _make_scorer(2, _NG, 2048)(
        gs3, global_queries, gs3, w1a, wrow, b1r,
        source_embeddings[2:3], W2, b2r)

    keep = jnp.concatenate([keep_l[:, 0], keep_p[:, 0], keep_g[:, 0]], axis=1)

    top_vals, top_idx = lax.top_k(keep, _K)

    fl = jnp.concatenate([
        lidar_refs, sn_l[:, 0][..., None], lidar_prior_scores[..., None],
        lidar_prior_labels.astype(f32)[..., None],
        lidar_prior_valid_mask.astype(f32)[..., None]], axis=-1)
    fp = jnp.concatenate([
        proposal_refs, sn_p[:, 0][..., None],
        jnp.zeros((_B, _NP, 3), f32)], axis=-1)
    fg = jnp.concatenate([
        global_refs, sn_g[:, 0][..., None],
        jnp.zeros((_B, _NG, 3), f32)], axis=-1)
    fields = jnp.concatenate([fl, fp, fg], axis=1)
    g = jnp.take_along_axis(fields, top_idx[..., None], axis=1)
    routed_refs = g[..., 0:3]
    routed_scores = g[..., 3]
    routed_psc = g[..., 4]
    routed_pl = g[..., 5].astype(lidar_prior_labels.dtype)
    routed_pvalid = g[..., 6] != 0

    in_l = top_idx < _NL
    in_p = (top_idx >= _NL) & (top_idx < _NL + _NP)
    routed_src = jnp.where(in_l, 0, jnp.where(in_p, 1, 2)).astype(jnp.int32)

    idx_l = jnp.clip(top_idx, 0, _NL - 1)
    idx_p = jnp.clip(top_idx - _NL, 0, _NP - 1)
    idx_g = jnp.clip(top_idx - _NL - _NP, 0, _NG - 1)

    q_l = jnp.take_along_axis(lidar_queries, idx_l[..., None], axis=1)
    q_p = jnp.take_along_axis(proposal_queries, idx_p[..., None], axis=1)
    q_g = jnp.take_along_axis(global_queries, idx_g[..., None], axis=1)
    routed_q = jnp.where(
        in_l[..., None], q_l + source_embeddings[0],
        jnp.where(in_p[..., None], q_p + source_embeddings[1],
                  q_g + source_embeddings[2]))

    return (routed_q, routed_refs, routed_scores, routed_src, routed_pl,
            routed_psc, routed_pvalid, top_vals)

# --- scband reference (transcript-rebuilt; emitter-appended) ---
"""Pipeline reference for scband-tri-source-query-router-52166672778162 (READ-ONLY COPY).

The authoritative reference and input builder live on the scoring server;
editing this copy changes nothing except your own understanding.
"""

import jax, jax.numpy as jnp
import numpy as np

B, D = 4, 128
NL, NP, NG = 32768, 8192, 4096
K = 1024


def _normalize(scores, source_id):
    if source_id == 0:
        s = jnp.log1p(scores)
        valid = scores > 0
    elif source_id == 2:
        s = scores
        valid = jnp.ones_like(scores, dtype=bool)
    else:
        s = scores
        valid = scores > 0
    mn = jnp.min(jnp.where(valid, s, jnp.inf), axis=1, keepdims=True)
    mx = jnp.max(jnp.where(valid, s, -jnp.inf), axis=1, keepdims=True)
    any_valid = jnp.any(valid, axis=1, keepdims=True)
    rng = mx - mn
    degen = jnp.abs(rng) < 1e-6
    denom = jnp.where(degen, 1.0, rng)
    val = jnp.where(degen, 1.0, (s - mn) / denom)
    normalized = jnp.where(valid & any_valid, val, 0.0)
    return normalized, valid


def setup_inputs(seed: int = 0):
    key = jax.random.key(seed)
    ks = jax.random.split(key, 16)
    return {
        "lidar_queries": jax.random.normal(ks[0], (B, NL, D), jnp.float32),
        "lidar_refs": jax.random.uniform(ks[1], (B, NL, 3), jnp.float32),
        "lidar_scores": jax.random.uniform(ks[2], (B, NL), jnp.float32),
        "lidar_prior_labels": jax.random.randint(ks[3], (B, NL), 0, 10),
        "lidar_prior_scores": jax.random.uniform(ks[4], (B, NL), jnp.float32),
        "lidar_prior_valid_mask": jax.random.randint(ks[5], (B, NL), 0, 2).astype(bool),
        "proposal_queries": jax.random.normal(ks[6], (B, NP, D), jnp.float32),
        "proposal_refs": jax.random.uniform(ks[7], (B, NP, 3), jnp.float32),
        "proposal_scores": jax.random.uniform(ks[8], (B, NP), jnp.float32),
        "global_queries": jax.random.normal(ks[9], (B, NG, D), jnp.float32),
        "global_refs": jax.random.uniform(ks[10], (B, NG, 3), jnp.float32),
        "global_scores": jax.random.normal(ks[11], (B, NG), jnp.float32),
        "source_embeddings": jax.random.normal(ks[12], (3, D), jnp.float32) * 0.02,
        "W1": jax.random.normal(ks[13], (D + 1, D), jnp.float32) * 0.02,
        "b1": jnp.zeros((D,), jnp.float32),
        "W2": jax.random.normal(ks[14], (D, 1), jnp.float32) * 0.02,
        "b2": jnp.zeros((1,), jnp.float32),
    }


def reference(lidar_queries, lidar_refs, lidar_scores, lidar_prior_labels, lidar_prior_scores, lidar_prior_valid_mask, proposal_queries, proposal_refs, proposal_scores, global_queries, global_refs, global_scores, source_embeddings, W1, b1, W2, b2):
    ls, lv = _normalize(lidar_scores, 0)
    ps, pv = _normalize(proposal_scores, 1)
    gs, gv = _normalize(global_scores, 2)
    all_q = jnp.concatenate([
        lidar_queries + source_embeddings[0],
        proposal_queries + source_embeddings[1],
        global_queries + source_embeddings[2],
    ], axis=1)
    all_refs = jnp.concatenate([lidar_refs, proposal_refs, global_refs], axis=1)
    all_s = jnp.concatenate([ls, ps, gs], axis=1)
    all_v = jnp.concatenate([lv, pv, gv], axis=1)
    all_src = jnp.concatenate([
        jnp.full(ls.shape, 0, jnp.int32),
        jnp.full(ps.shape, 1, jnp.int32),
        jnp.full(gs.shape, 2, jnp.int32),
    ], axis=1)
    all_pl = jnp.concatenate([
        lidar_prior_labels,
        jnp.zeros(ps.shape, lidar_prior_labels.dtype),
        jnp.zeros(gs.shape, lidar_prior_labels.dtype),
    ], axis=1)
    all_psc = jnp.concatenate([
        lidar_prior_scores,
        jnp.zeros(ps.shape, jnp.float32),
        jnp.zeros(gs.shape, jnp.float32),
    ], axis=1)
    all_pv = jnp.concatenate([
        lidar_prior_valid_mask,
        jnp.zeros(ps.shape, bool),
        jnp.zeros(gs.shape, bool),
    ], axis=1)
    feat = jnp.concatenate([all_q, all_s[..., None]], axis=-1)
    h = jax.nn.relu(feat @ W1 + b1)
    keep_logits = (h @ W2 + b2)[..., 0]
    keep_scores = keep_logits + all_s
    masked = jnp.where(all_v, keep_scores, -jnp.inf)
    top_vals, top_idx = jax.lax.top_k(masked, K)
    routed_q = jnp.take_along_axis(all_q, top_idx[..., None], axis=1)
    routed_refs = jnp.take_along_axis(all_refs, top_idx[..., None], axis=1)
    routed_scores = jnp.take_along_axis(all_s, top_idx, axis=1)
    routed_src = jnp.take_along_axis(all_src, top_idx, axis=1)
    routed_pl = jnp.take_along_axis(all_pl, top_idx, axis=1)
    routed_psc = jnp.take_along_axis(all_psc, top_idx, axis=1)
    routed_pvalid = jnp.take_along_axis(all_pv, top_idx, axis=1)
    return (routed_q, routed_refs, routed_scores, routed_src, routed_pl, routed_psc, routed_pvalid, top_vals)

if __name__ == "__main__":
    import jax
    _d = setup_inputs()
    print(jax.jit(kernel)(*tuple(_d.values())))

</pallas_src>

<mosaic_0001>
module attributes {stable_mosaic.version = 14 : i64} {
  func.func @_score_body(%arg0: i32, %arg1: i32, %arg2: memref<1x1x32768xf32, #tpu.memory_space<vmem>>, %arg3: memref<1x2048x128xf32, #tpu.memory_space<vmem>>, %arg4: memref<1x1x2048xf32, #tpu.memory_space<vmem>>, %arg5: memref<128x128xf32, #tpu.memory_space<vmem>>, %arg6: memref<1x128xf32, #tpu.memory_space<vmem>>, %arg7: memref<1x128xf32, #tpu.memory_space<vmem>>, %arg8: memref<1x128xf32, #tpu.memory_space<vmem>>, %arg9: memref<128x1xf32, #tpu.memory_space<vmem>>, %arg10: memref<1x1xf32, #tpu.memory_space<vmem>>, %arg11: memref<1x1x2048xf32, #tpu.memory_space<vmem>>, %arg12: memref<1x1x2048xf32, #tpu.memory_space<vmem>>) attributes {dimension_semantics = [#tpu.dimension_semantics<arbitrary>, #tpu.dimension_semantics<arbitrary>], iteration_bounds = array<i64: 4, 16>, scalar_prefetch = 0 : i64, scratch_operands = 0 : i64, tpu.core_type = #tpu.core_type<tc>, window_params = [{transform_indices = @transform_0, window_bounds = array<i64: 1, 1, 32768>}, {transform_indices = @transform_1, window_bounds = array<i64: 1, 2048, 128>}, {transform_indices = @transform_2, window_bounds = array<i64: 1, 1, 2048>}, {pipeline_mode = #tpu.pipeline_mode<synchronous>, transform_indices = @transform_3, window_bounds = array<i64: 128, 128>}, {pipeline_mode = #tpu.pipeline_mode<synchronous>, transform_indices = @transform_4, window_bounds = array<i64: 1, 128>}, {pipeline_mode = #tpu.pipeline_mode<synchronous>, transform_indices = @transform_5, window_bounds = array<i64: 1, 128>}, {pipeline_mode = #tpu.pipeline_mode<synchronous>, transform_indices = @transform_6, window_bounds = array<i64: 1, 128>}, {pipeline_mode = #tpu.pipeline_mode<synchronous>, transform_indices = @transform_7, window_bounds = array<i64: 128, 1>}, {pipeline_mode = #tpu.pipeline_mode<synchronous>, transform_indices = @transform_8, window_bounds = array<i64: 1, 1>}, {transform_indices = @transform_9, window_bounds = array<i64: 1, 1, 2048>}, {transform_indices = @transform_10, window_bounds = array<i64: 1, 1, 2048>}]} {
    %get3A = arith.constant 0 : index
    %get3A_0 = arith.constant 0 : index
    %get3A_1 = arith.constant 0 : index
    %get3A_2 = vector.load %arg2[%get3A, %get3A_0, %get3A_1] : memref<1x1x32768xf32, #tpu.memory_space<vmem>>, vector<1x1x32768xf32>
    %get3A_3 = vector.shape_cast %get3A_2 : vector<1x1x32768xf32> to vector<32768xf32>
    %log1p3A = math.log1p %get3A_3 : vector<32768xf32>
    %gt3A = arith.constant 0.000000e+00 : f32
    %gt3A_4 = vector.broadcast %gt3A : f32 to vector<32768xf32>
    %gt3A_5 = arith.cmpf ogt, %get3A_3, %gt3A_4 : vector<32768xf32>
    %jit3A = arith.constant 0x7F800000 : f32
    %broadcast_in_dim3A = vector.broadcast %jit3A : f32 to vector<32768xf32>
    %select_n3A = arith.select %gt3A_5, %log1p3A, %broadcast_in_dim3A : vector<32768xi1>, vector<32768xf32>
    %reduce_min3A = vector.shape_cast %select_n3A : vector<32768xf32> to vector<1x32768xf32>
    %reduce_min3A_6 = arith.constant dense<0x7F800000> : vector<1xf32>
    %reduce_min3A_7 = vector.multi_reduction <minimumf>, %reduce_min3A, %reduce_min3A_6 [1] : vector<1x32768xf32> to vector<1xf32>
    %reduce_min3A_8 = vector.shape_cast %reduce_min3A_7 : vector<1xf32> to vector<1x1xf32>
    %reduce_min3A_9 = vector.extract %reduce_min3A_8[0, 0] : f32 from vector<1x1xf32>
    %neg3A = arith.constant 0.000000e+00 : f32
    %neg3A_10 = arith.constant 0x7F800000 : f32
    %neg3A_11 = arith.subf %neg3A, %neg3A_10 : f32
    %broadcast_in_dim3A_12 = vector.broadcast %neg3A_11 : f32 to vector<32768xf32>
    %select_n3A_13 = arith.select %gt3A_5, %log1p3A, %broadcast_in_dim3A_12 : vector<32768xi1>, vector<32768xf32>
    %reduce_max3A = vector.shape_cast %select_n3A_13 : vector<32768xf32> to vector<1x32768xf32>
    %reduce_max3A_14 = arith.constant dense<0xFF800000> : vector<1xf32>
    %reduce_max3A_15 = vector.multi_reduction <maximumf>, %reduce_max3A, %reduce_max3A_14 [1] : vector<1x32768xf32> to vector<1xf32>
    %reduce_max3A_16 = vector.shape_cast %reduce_max3A_15 : vector<1xf32> to vector<1x1xf32>
    %reduce_max3A_17 = vector.extract %reduce_max3A_16[0, 0] : f32 from vector<1x1xf32>
    %reduce_or3A = arith.constant 1.000000e+00 : f32
    %reduce_or3A_18 = arith.constant 0.000000e+00 : f32
    %reduce_or3A_19 = vector.broadcast %reduce_or3A : f32 to vector<32768xf32>
    %reduce_or3A_20 = vector.broadcast %reduce_or3A_18 : f32 to vector<32768xf32>
    %reduce_or3A_21 = arith.select %gt3A_5, %reduce_or3A_19, %reduce_or3A_20 : vector<32768xi1>, vector<32768xf32>
    %reduce_or3A_22 = vector.shape_cast %reduce_or3A_21 : vector<32768xf32> to vector<1x32768xf32>
    %reduce_or3A_23 = arith.constant dense<0xFF800000> : vector<1xf32>
    %reduce_or3A_24 = vector.multi_reduction <maximumf>, %reduce_or3A_22, %reduce_or3A_23 [1] : vector<1x32768xf32> to vector<1xf32>
    %reduce_or3A_25 = vector.shape_cast %reduce_or3A_24 : vector<1xf32> to vector<1x1xf32>
    %reduce_or3A_26 = vector.extract %reduce_or3A_25[0, 0] : f32 from vector<1x1xf32>
    %reduce_or3A_27 = arith.constant 0.000000e+00 : f32
    %reduce_or3A_28 = arith.cmpf ogt, %reduce_or3A_26, %reduce_or3A_27 : f32
    %sub3A = arith.subf %reduce_max3A_17, %reduce_min3A_9 : f32
    %abs3A = math.absf %sub3A : f32
    %lt3A = arith.constant 9.99999997E-7 : f32
    %lt3A_29 = arith.cmpf olt, %abs3A, %lt3A : f32
    %jit3A_30 = arith.constant 1.000000e+00 : f32
    %select_n3A_31 = arith.select %lt3A_29, %jit3A_30, %sub3A : f32
    %get3A_32 = arith.constant 0 : index
    %get3A_33 = arith.constant 0 : index
    %get3A_34 = arith.constant 0 : index
    %get3A_35 = vector.load %arg4[%get3A_32, %get3A_33, %get3A_34] : memref<1x1x2048xf32, #tpu.memory_space<vmem>>, vector<1x1x2048xf32>
    %get3A_36 = vector.shape_cast %get3A_35 : vector<1x1x2048xf32> to vector<2048xf32>
    %log1p3A_37 = math.log1p %get3A_36 : vector<2048xf32>
    %gt3A_38 = arith.constant 0.000000e+00 : f32
    %gt3A_39 = vector.broadcast %gt3A_38 : f32 to vector<2048xf32>
    %gt3A_40 = arith.cmpf ogt, %get3A_36, %gt3A_39 : vector<2048xf32>
    %sub3A_41 = vector.broadcast %reduce_min3A_9 : f32 to vector<2048xf32>
    %sub3A_42 = arith.subf %log1p3A_37, %sub3A_41 : vector<2048xf32>
    %div3A = vector.broadcast %select_n3A_31 : f32 to vector<2048xf32>
    %div3A_43 = arith.divf %sub3A_42, %div3A : vector<2048xf32>
    %jit3A_44 = arith.constant 1.000000e+00 : f32
    %broadcast_in_dim3A_45 = vector.broadcast %jit3A_44 : f32 to vector<2048xf32>
    %select_n3A_46 = arith.select %lt3A_29, %broadcast_in_dim3A_45, %div3A_43 : vector<2048xf32>
    %and3A = vector.broadcast %reduce_or3A_28 : i1 to vector<2048xi1>
    %and3A_47 = arith.andi %gt3A_40, %and3A : vector<2048xi1>
    %jit3A_48 = arith.constant 0.000000e+00 : f32
    %broadcast_in_dim3A_49 = vector.broadcast %jit3A_48 : f32 to vector<2048xf32>
    %select_n3A_50 = arith.select %and3A_47, %select_n3A_46, %broadcast_in_dim3A_49 : vector<2048xi1>, vector<2048xf32>
    %get3A_51 = arith.constant 0 : index
    %get3A_52 = arith.constant 0 : index
    %get3A_53 = arith.constant 0 : index
    %get3A_54 = vector.load %arg3[%get3A_51, %get3A_52, %get3A_53] : memref<1x2048x128xf32, #tpu.memory_space<vmem>>, vector<1x2048x128xf32>
    %get3A_55 = vector.shape_cast %get3A_54 : vector<1x2048x128xf32> to vector<2048x128xf32>
    %get3A_56 = arith.constant 0 : index
    %get3A_57 = arith.constant 0 : index
    %get3A_58 = vector.load %arg8[%get3A_56, %get3A_57] : memref<1x128xf32, #tpu.memory_space<vmem>>, vector<1x128xf32>
    %get3A_59 = vector.shape_cast %get3A_58 : vector<1x128xf32> to vector<128xf32>
    %broadcast_in_dim3A_60 = vector.shape_cast %get3A_59 : vector<128xf32> to vector<1x128xf32>
    %add3A = vector.broadcast %broadcast_in_dim3A_60 : vector<1x128xf32> to vector<2048x128xf32>
    %add3A_61 = arith.addf %get3A_55, %add3A : vector<2048x128xf32>
    %convert_element_type3A = arith.truncf %add3A_61 : vector<2048x128xf32> to vector<2048x128xbf16>
    %convert_element_type3A_62 = arith.truncf %select_n3A_50 : vector<2048xf32> to vector<2048xbf16>
    %broadcast_in_dim3A_63 = arith.constant 0.000000e+00 : bf16
    %broadcast_in_dim3A_64 = vector.broadcast %broadcast_in_dim3A_63 : bf16 to vector<2048x127xbf16>
    %broadcast_in_dim3A_65 = vector.shape_cast %convert_element_type3A_62 : vector<2048xbf16> to vector<2048x1xbf16>
    %concatenate3A = tpu.concatenate %convert_element_type3A, %broadcast_in_dim3A_65, %broadcast_in_dim3A_64 in 1 : vector<2048x128xbf16>, vector<2048x1xbf16>, vector<2048x127xbf16> -> vector<2048x256xbf16>
    %get3A_66 = arith.constant 0 : index
    %get3A_67 = arith.constant 0 : index
    %get3A_68 = vector.load %arg5[%get3A_66, %get3A_67] : memref<128x128xf32, #tpu.memory_space<vmem>>, vector<128x128xf32>
    %convert_element_type3A_69 = arith.truncf %get3A_68 : vector<128x128xf32> to vector<128x128xbf16>
    %get3A_70 = arith.constant 0 : index
    %get3A_71 = arith.constant 0 : index
    %get3A_72 = vector.load %arg6[%get3A_70, %get3A_71] : memref<1x128xf32, #tpu.memory_space<vmem>>, vector<1x128xf32>
    %get3A_73 = vector.shape_cast %get3A_72 : vector<1x128xf32> to vector<128xf32>
    %convert_element_type3A_74 = arith.truncf %get3A_73 : vector<128xf32> to vector<128xbf16>
    %broadcast_in_dim3A_75 = arith.constant 0.000000e+00 : bf16
    %broadcast_in_dim3A_76 = vector.broadcast %broadcast_in_dim3A_75 : bf16 to vector<127x128xbf16>
    %broadcast_in_dim3A_77 = vector.shape_cast %convert_element_type3A_74 : vector<128xbf16> to vector<1x128xbf16>
    %concatenate3A_78 = tpu.concatenate %convert_element_type3A_69, %broadcast_in_dim3A_77, %broadcast_in_dim3A_76 in 0 : vector<128x128xbf16>, vector<1x128xbf16>, vector<127x128xbf16> -> vector<256x128xbf16>
    %dot_general3A = arith.constant dense<0.000000e+00> : vector<2048x128xf32>
    %dot_general3A_79 = tpu.matmul %concatenate3A, %concatenate3A_78, %dot_general3A {dimension_numbers = #tpu.dot_dimension_numbers<[1], [0], [0], [1], [0, 0, 1, 1], [], []>, transpose_lhs_hint = false} : vector<2048x256xbf16>, vector<256x128xbf16>, vector<2048x128xf32> -> vector<2048x128xf32>
    %get3A_80 = arith.constant 0 : index
    %get3A_81 = arith.constant 0 : index
    %get3A_82 = vector.load %arg7[%get3A_80, %get3A_81] : memref<1x128xf32, #tpu.memory_space<vmem>>, vector<1x128xf32>
    %get3A_83 = vector.shape_cast %get3A_82 : vector<1x128xf32> to vector<128xf32>
    %broadcast_in_dim3A_84 = vector.shape_cast %get3A_83 : vector<128xf32> to vector<1x128xf32>
    %add3A_85 = vector.broadcast %broadcast_in_dim3A_84 : vector<1x128xf32> to vector<2048x128xf32>
    %add3A_86 = arith.addf %dot_general3A_79, %add3A_85 : vector<2048x128xf32>
    %max3A = arith.constant 0.000000e+00 : f32
    %max3A_87 = vector.broadcast %max3A : f32 to vector<2048x128xf32>
    %max3A_88 = arith.maximumf %add3A_86, %max3A_87 : vector<2048x128xf32>
    %convert_element_type3A_89 = arith.truncf %max3A_88 : vector<2048x128xf32> to vector<2048x128xbf16>
    %get3A_90 = arith.constant 0 : index
    %get3A_91 = arith.constant 0 : index
    %get3A_92 = vector.load %arg9[%get3A_90, %get3A_91] : memref<128x1xf32, #tpu.memory_space<vmem>>, vector<128x1xf32>
    %convert_element_type3A_93 = arith.truncf %get3A_92 : vector<128x1xf32> to vector<128x1xbf16>
    %dot_general3A_94 = arith.constant dense<0.000000e+00> : vector<2048x1xf32>
    %dot_general3A_95 = tpu.matmul %convert_element_type3A_89, %convert_element_type3A_93, %dot_general3A_94 {dimension_numbers = #tpu.dot_dimension_numbers<[1], [0], [0], [1], [0, 0, 1, 1], [], []>, transpose_lhs_hint = false} : vector<2048x128xbf16>, vector<128x1xbf16>, vector<2048x1xf32> -> vector<2048x1xf32>
    %squeeze3A = vector.shape_cast %dot_general3A_95 : vector<2048x1xf32> to vector<2048xf32>
    %get3A_96 = arith.constant 0 : index
    %get3A_97 = arith.constant 0 : index
    %get3A_98 = vector.load %arg10[%get3A_96, %get3A_97] : memref<1x1xf32, #tpu.memory_space<vmem>>, vector<1x1xf32>
    %get3A_99 = vector.extract %get3A_98[0, 0] : f32 from vector<1x1xf32>
    %add3A_100 = vector.broadcast %get3A_99 : f32 to vector<2048xf32>
    %add3A_101 = arith.addf %squeeze3A, %add3A_100 : vector<2048xf32>
    %add3A_102 = arith.addf %add3A_101, %select_n3A_50 : vector<2048xf32>
    %neg3A_103 = arith.constant 0.000000e+00 : f32
    %neg3A_104 = arith.constant 0x7F800000 : f32
    %neg3A_105 = arith.subf %neg3A_103, %neg3A_104 : f32
    %broadcast_in_dim3A_106 = vector.broadcast %neg3A_105 : f32 to vector<2048xf32>
    %select_n3A_107 = arith.select %gt3A_40, %add3A_102, %broadcast_in_dim3A_106 : vector<2048xi1>, vector<2048xf32>
    %swap3A = arith.constant 0 : index
    %swap3A_108 = arith.constant 0 : index
    %swap3A_109 = arith.constant 0 : index
    %swap3A_110 = vector.load %arg11[%swap3A, %swap3A_108, %swap3A_109] : memref<1x1x2048xf32, #tpu.memory_space<vmem>>, vector<1x1x2048xf32>
    %swap3A_111 = vector.shape_cast %swap3A_110 : vector<1x1x2048xf32> to vector<2048xf32>
    %swap3A_112 = vector.shape_cast %select_n3A_107 : vector<2048xf32> to vector<1x1x2048xf32>
    tpu.vector_store %arg11[%swap3A, %swap3A_108, %swap3A_109], %swap3A_112 {strides = array<i32>} : memref<1x1x2048xf32, #tpu.memory_space<vmem>>, vector<1x1x2048xf32>,
    %swap3A_113 = arith.constant 0 : index
    %swap3A_114 = arith.constant 0 : index
    %swap3A_115 = arith.constant 0 : index
    %swap3A_116 = vector.load %arg12[%swap3A_113, %swap3A_114, %swap3A_115] : memref<1x1x2048xf32, #tpu.memory_space<vmem>>, vector<1x1x2048xf32>
    %swap3A_117 = vector.shape_cast %swap3A_116 : vector<1x1x2048xf32> to vector<2048xf32>
    %swap3A_118 = vector.shape_cast %select_n3A_50 : vector<2048xf32> to vector<1x1x2048xf32>
    tpu.vector_store %arg12[%swap3A_113, %swap3A_114, %swap3A_115], %swap3A_118 {strides = array<i32>} : memref<1x1x2048xf32, #tpu.memory_space<vmem>>, vector<1x1x2048xf32>,
    return
  }
  func.func @transform_0(%arg0: i32, %arg1: i32) -> (i32, i32, i32) {
    %c0_i32 = arith.constant 0 : i32
    %c0_i32_0 = arith.constant 0 : i32
    %c0_i32_1 = arith.constant 0 : i32
    return %arg0, %c0_i32, %c0_i32_0 : i32, i32, i32
  }
  func.func @transform_1(%arg0: i32, %arg1: i32) -> (i32, i32, i32) {
    %c0_i32 = arith.constant 0 : i32
    %c0_i32_0 = arith.constant 0 : i32
    return %arg0, %arg1, %c0_i32 : i32, i32, i32
  }
  func.func @transform_2(%arg0: i32, %arg1: i32) -> (i32, i32, i32) {
    %c0_i32 = arith.constant 0 : i32
    %c0_i32_0 = arith.constant 0 : i32
    return %arg0, %c0_i32, %arg1 : i32, i32, i32
  }
  func.func @transform_3(%arg0: i32, %arg1: i32) -> (i32, i32) {
    %c0_i32 = arith.constant 0 : i32
    %c0_i32_0 = arith.constant 0 : i32
    %c0_i32_1 = arith.constant 0 : i32
    return %c0_i32, %c0_i32_0 : i32, i32
  }
  func.func @transform_4(%arg0: i32, %arg1: i32) -> (i32, i32) {
    %c0_i32 = arith.constant 0 : i32
    %c0_i32_0 = arith.constant 0 : i32
    %c0_i32_1 = arith.constant 0 : i32
    return %c0_i32, %c0_i32_0 : i32, i32
  }
  func.func @transform_5(%arg0: i32, %arg1: i32) -> (i32, i32) {
    %c0_i32 = arith.constant 0 : i32
    %c0_i32_0 = arith.constant 0 : i32
    %c0_i32_1 = arith.constant 0 : i32
    return %c0_i32, %c0_i32_0 : i32, i32
  }
  func.func @transform_6(%arg0: i32, %arg1: i32) -> (i32, i32) {
    %c0_i32 = arith.constant 0 : i32
    %c0_i32_0 = arith.constant 0 : i32
    %c0_i32_1 = arith.constant 0 : i32
    return %c0_i32, %c0_i32_0 : i32, i32
  }
  func.func @transform_7(%arg0: i32, %arg1: i32) -> (i32, i32) {
    %c0_i32 = arith.constant 0 : i32
    %c0_i32_0 = arith.constant 0 : i32
    %c0_i32_1 = arith.constant 0 : i32
    return %c0_i32, %c0_i32_0 : i32, i32
  }
  func.func @transform_8(%arg0: i32, %arg1: i32) -> (i32, i32) {
    %c0_i32 = arith.constant 0 : i32
    %c0_i32_0 = arith.constant 0 : i32
    %c0_i32_1 = arith.constant 0 : i32
    return %c0_i32, %c0_i32_0 : i32, i32
  }
  func.func @transform_9(%arg0: i32, %arg1: i32) -> (i32, i32, i32) {
    %c0_i32 = arith.constant 0 : i32
    %c0_i32_0 = arith.constant 0 : i32
    return %arg0, %c0_i32, %arg1 : i32, i32, i32
  }
  func.func @transform_10(%arg0: i32, %arg1: i32) -> (i32, i32, i32) {
    %c0_i32 = arith.constant 0 : i32
    %c0_i32_0 = arith.constant 0 : i32
    return %arg0, %c0_i32, %arg1 : i32, i32, i32
  }
}

module attributes {stable_mosaic.version = 14 : i64} {
  func.func @_score_body(%arg0: i32, %arg1: i32, %arg2: memref<1x1x8192xf32, #tpu.memory_space<vmem>>, %arg3: memref<1x2048x128xf32, #tpu.memory_space<vmem>>, %arg4: memref<1x1x2048xf32, #tpu.memory_space<vmem>>, %arg5: memref<128x128xf32, #tpu.memory_space<vmem>>, %arg6: memref<1x128xf32, #tpu.memory_space<vmem>>, %arg7: memref<1x128xf32, #tpu.memory_space<vmem>>, %arg8: memref<1x128xf32, #tpu.memory_space<vmem>>, %arg9: memref<128x1xf32, #tpu.memory_space<vmem>>, %arg10: memref<1x1xf32, #tpu.memory_space<vmem>>, %arg11: memref<1x1x2048xf32, #tpu.memory_space<vmem>>, %arg12: memref<1x1x2048xf32, #tpu.memory_space<vmem>>) attributes {dimension_semantics = [#tpu.dimension_semantics<arbitrary>, #tpu.dimension_semantics<arbitrary>], iteration_bounds = array<i64: 4, 4>, scalar_prefetch = 0 : i64, scratch_operands = 0 : i64, tpu.core_type = #tpu.core_type<tc>, window_params = [{transform_indices = @transform_0, window_bounds = array<i64: 1, 1, 8192>}, {transform_indices = @transform_1, window_bounds = array<i64: 1, 2048, 128>}, {transform_indices = @transform_2, window_bounds = array<i64: 1, 1, 2048>}, {pipeline_mode = #tpu.pipeline_mode<synchronous>, transform_indices = @transform_3, window_bounds = array<i64: 128, 128>}, {pipeline_mode = #tpu.pipeline_mode<synchronous>, transform_indices = @transform_4, window_bounds = array<i64: 1, 128>}, {pipeline_mode = #tpu.pipeline_mode<synchronous>, transform_indices = @transform_5, window_bounds = array<i64: 1, 128>}, {pipeline_mode = #tpu.pipeline_mode<synchronous>, transform_indices = @transform_6, window_bounds = array<i64: 1, 128>}, {pipeline_mode = #tpu.pipeline_mode<synchronous>, transform_indices = @transform_7, window_bounds = array<i64: 128, 1>}, {pipeline_mode = #tpu.pipeline_mode<synchronous>, transform_indices = @transform_8, window_bounds = array<i64: 1, 1>}, {transform_indices = @transform_9, window_bounds = array<i64: 1, 1, 2048>}, {transform_indices = @transform_10, window_bounds = array<i64: 1, 1, 2048>}]} {
    %get3A = arith.constant 0 : index
    %get3A_0 = arith.constant 0 : index
    %get3A_1 = arith.constant 0 : index
    %get3A_2 = vector.load %arg2[%get3A, %get3A_0, %get3A_1] : memref<1x1x8192xf32, #tpu.memory_space<vmem>>, vector<1x1x8192xf32>
    %get3A_3 = vector.shape_cast %get3A_2 : vector<1x1x8192xf32> to vector<8192xf32>
    %gt3A = arith.constant 0.000000e+00 : f32
    %gt3A_4 = vector.broadcast %gt3A : f32 to vector<8192xf32>
    %gt3A_5 = arith.cmpf ogt, %get3A_3, %gt3A_4 : vector<8192xf32>
    %jit3A = arith.constant 0x7F800000 : f32
    %broadcast_in_dim3A = vector.broadcast %jit3A : f32 to vector<8192xf32>
    %select_n3A = arith.select %gt3A_5, %get3A_3, %broadcast_in_dim3A : vector<8192xi1>, vector<8192xf32>
    %reduce_min3A = vector.shape_cast %select_n3A : vector<8192xf32> to vector<1x8192xf32>
    %reduce_min3A_6 = arith.constant dense<0x7F800000> : vector<1xf32>
    %reduce_min3A_7 = vector.multi_reduction <minimumf>, %reduce_min3A, %reduce_min3A_6 [1] : vector<1x8192xf32> to vector<1xf32>
    %reduce_min3A_8 = vector.shape_cast %reduce_min3A_7 : vector<1xf32> to vector<1x1xf32>
    %reduce_min3A_9 = vector.extract %reduce_min3A_8[0, 0] : f32 from vector<1x1xf32>
    %neg3A = arith.constant 0.000000e+00 : f32
    %neg3A_10 = arith.constant 0x7F800000 : f32
    %neg3A_11 = arith.subf %neg3A, %neg3A_10 : f32
    %broadcast_in_dim3A_12 = vector.broadcast %neg3A_11 : f32 to vector<8192xf32>
    %select_n3A_13 = arith.select %gt3A_5, %get3A_3, %broadcast_in_dim3A_12 : vector<8192xi1>, vector<8192xf32>
    %reduce_max3A = vector.shape_cast %select_n3A_13 : vector<8192xf32> to vector<1x8192xf32>
    %reduce_max3A_14 = arith.constant dense<0xFF800000> : vector<1xf32>
    %reduce_max3A_15 = vector.multi_reduction <maximumf>, %reduce_max3A, %reduce_max3A_14 [1] : vector<1x8192xf32> to vector<1xf32>
    %reduce_max3A_16 = vector.shape_cast %reduce_max3A_15 : vector<1xf32> to vector<1x1xf32>
    %reduce_max3A_17 = vector.extract %reduce_max3A_16[0, 0] : f32 from vector<1x1xf32>
    %reduce_or3A = arith.constant 1.000000e+00 : f32
    %reduce_or3A_18 = arith.constant 0.000000e+00 : f32
    %reduce_or3A_19 = vector.broadcast %reduce_or3A : f32 to vector<8192xf32>
    %reduce_or3A_20 = vector.broadcast %reduce_or3A_18 : f32 to vector<8192xf32>
    %reduce_or3A_21 = arith.select %gt3A_5, %reduce_or3A_19, %reduce_or3A_20 : vector<8192xi1>, vector<8192xf32>
    %reduce_or3A_22 = vector.shape_cast %reduce_or3A_21 : vector<8192xf32> to vector<1x8192xf32>
    %reduce_or3A_23 = arith.constant dense<0xFF800000> : vector<1xf32>
    %reduce_or3A_24 = vector.multi_reduction <maximumf>, %reduce_or3A_22, %reduce_or3A_23 [1] : vector<1x8192xf32> to vector<1xf32>
    %reduce_or3A_25 = vector.shape_cast %reduce_or3A_24 : vector<1xf32> to vector<1x1xf32>
    %reduce_or3A_26 = vector.extract %reduce_or3A_25[0, 0] : f32 from vector<1x1xf32>
    %reduce_or3A_27 = arith.constant 0.000000e+00 : f32
    %reduce_or3A_28 = arith.cmpf ogt, %reduce_or3A_26, %reduce_or3A_27 : f32
    %sub3A = arith.subf %reduce_max3A_17, %reduce_min3A_9 : f32
    %abs3A = math.absf %sub3A : f32
    %lt3A = arith.constant 9.99999997E-7 : f32
    %lt3A_29 = arith.cmpf olt, %abs3A, %lt3A : f32
    %jit3A_30 = arith.constant 1.000000e+00 : f32
    %select_n3A_31 = arith.select %lt3A_29, %jit3A_30, %sub3A : f32
    %get3A_32 = arith.constant 0 : index
    %get3A_33 = arith.constant 0 : index
    %get3A_34 = arith.constant 0 : index
    %get3A_35 = vector.load %arg4[%get3A_32, %get3A_33, %get3A_34] : memref<1x1x2048xf32, #tpu.memory_space<vmem>>, vector<1x1x2048xf32>
    %get3A_36 = vector.shape_cast %get3A_35 : vector<1x1x2048xf32> to vector<2048xf32>
    %gt3A_37 = arith.constant 0.000000e+00 : f32
    %gt3A_38 = vector.broadcast %gt3A_37 : f32 to vector<2048xf32>
    %gt3A_39 = arith.cmpf ogt, %get3A_36, %gt3A_38 : vector<2048xf32>
    %sub3A_40 = vector.broadcast %reduce_min3A_9 : f32 to vector<2048xf32>
    %sub3A_41 = arith.subf %get3A_36, %sub3A_40 : vector<2048xf32>
    %div3A = vector.broadcast %select_n3A_31 : f32 to vector<2048xf32>
    %div3A_42 = arith.divf %sub3A_41, %div3A : vector<2048xf32>
    %jit3A_43 = arith.constant 1.000000e+00 : f32
    %broadcast_in_dim3A_44 = vector.broadcast %jit3A_43 : f32 to vector<2048xf32>
    %select_n3A_45 = arith.select %lt3A_29, %broadcast_in_dim3A_44, %div3A_42 : vector<2048xf32>
    %and3A = vector.broadcast %reduce_or3A_28 : i1 to vector<2048xi1>
    %and3A_46 = arith.andi %gt3A_39, %and3A : vector<2048xi1>
    %jit3A_47 = arith.constant 0.000000e+00 : f32
    %broadcast_in_dim3A_48 = vector.broadcast %jit3A_47 : f32 to vector<2048xf32>
    %select_n3A_49 = arith.select %and3A_46, %select_n3A_45, %broadcast_in_dim3A_48 : vector<2048xi1>, vector<2048xf32>
    %get3A_50 = arith.constant 0 : index
    %get3A_51 = arith.constant 0 : index
    %get3A_52 = arith.constant 0 : index
    %get3A_53 = vector.load %arg3[%get3A_50, %get3A_51, %get3A_52] : memref<1x2048x128xf32, #tpu.memory_space<vmem>>, vector<1x2048x128xf32>
    %get3A_54 = vector.shape_cast %get3A_53 : vector<1x2048x128xf32> to vector<2048x128xf32>
    %get3A_55 = arith.constant 0 : index
    %get3A_56 = arith.constant 0 : index
    %get3A_57 = vector.load %arg8[%get3A_55, %get3A_56] : memref<1x128xf32, #tpu.memory_space<vmem>>, vector<1x128xf32>
    %get3A_58 = vector.shape_cast %get3A_57 : vector<1x128xf32> to vector<128xf32>
    %broadcast_in_dim3A_59 = vector.shape_cast %get3A_58 : vector<128xf32> to vector<1x128xf32>
    %add3A = vector.broadcast %broadcast_in_dim3A_59 : vector<1x128xf32> to vector<2048x128xf32>
    %add3A_60 = arith.addf %get3A_54, %add3A : vector<2048x128xf32>
    %convert_element_type3A = arith.truncf %add3A_60 : vector<2048x128xf32> to vector<2048x128xbf16>
    %convert_element_type3A_61 = arith.truncf %select_n3A_49 : vector<2048xf32> to vector<2048xbf16>
    %broadcast_in_dim3A_62 = arith.constant 0.000000e+00 : bf16
    %broadcast_in_dim3A_63 = vector.broadcast %broadcast_in_dim3A_62 : bf16 to vector<2048x127xbf16>
    %broadcast_in_dim3A_64 = vector.shape_cast %convert_element_type3A_61 : vector<2048xbf16> to vector<2048x1xbf16>
    %concatenate3A = tpu.concatenate %convert_element_type3A, %broadcast_in_dim3A_64, %broadcast_in_dim3A_63 in 1 : vector<2048x128xbf16>, vector<2048x1xbf16>, vector<2048x127xbf16> -> vector<2048x256xbf16>
    %get3A_65 = arith.constant 0 : index
    %get3A_66 = arith.constant 0 : index
    %get3A_67 = vector.load %arg5[%get3A_65, %get3A_66] : memref<128x128xf32, #tpu.memory_space<vmem>>, vector<128x128xf32>
    %convert_element_type3A_68 = arith.truncf %get3A_67 : vector<128x128xf32> to vector<128x128xbf16>
    %get3A_69 = arith.constant 0 : index
    %get3A_70 = arith.constant 0 : index
    %get3A_71 = vector.load %arg6[%get3A_69, %get3A_70] : memref<1x128xf32, #tpu.memory_space<vmem>>, vector<1x128xf32>
    %get3A_72 = vector.shape_cast %get3A_71 : vector<1x128xf32> to vector<128xf32>
    %convert_element_type3A_73 = arith.truncf %get3A_72 : vector<128xf32> to vector<128xbf16>
    %broadcast_in_dim3A_74 = arith.constant 0.000000e+00 : bf16
    %broadcast_in_dim3A_75 = vector.broadcast %broadcast_in_dim3A_74 : bf16 to vector<127x128xbf16>
    %broadcast_in_dim3A_76 = vector.shape_cast %convert_element_type3A_73 : vector<128xbf16> to vector<1x128xbf16>
    %concatenate3A_77 = tpu.concatenate %convert_element_type3A_68, %broadcast_in_dim3A_76, %broadcast_in_dim3A_75 in 0 : vector<128x128xbf16>, vector<1x128xbf16>, vector<127x128xbf16> -> vector<256x128xbf16>
    %dot_general3A = arith.constant dense<0.000000e+00> : vector<2048x128xf32>
    %dot_general3A_78 = tpu.matmul %concatenate3A, %concatenate3A_77, %dot_general3A {dimension_numbers = #tpu.dot_dimension_numbers<[1], [0], [0], [1], [0, 0, 1, 1], [], []>, transpose_lhs_hint = false} : vector<2048x256xbf16>, vector<256x128xbf16>, vector<2048x128xf32> -> vector<2048x128xf32>
    %get3A_79 = arith.constant 0 : index
    %get3A_80 = arith.constant 0 : index
    %get3A_81 = vector.load %arg7[%get3A_79, %get3A_80] : memref<1x128xf32, #tpu.memory_space<vmem>>, vector<1x128xf32>
    %get3A_82 = vector.shape_cast %get3A_81 : vector<1x128xf32> to vector<128xf32>
    %broadcast_in_dim3A_83 = vector.shape_cast %get3A_82 : vector<128xf32> to vector<1x128xf32>
    %add3A_84 = vector.broadcast %broadcast_in_dim3A_83 : vector<1x128xf32> to vector<2048x128xf32>
    %add3A_85 = arith.addf %dot_general3A_78, %add3A_84 : vector<2048x128xf32>
    %max3A = arith.constant 0.000000e+00 : f32
    %max3A_86 = vector.broadcast %max3A : f32 to vector<2048x128xf32>
    %max3A_87 = arith.maximumf %add3A_85, %max3A_86 : vector<2048x128xf32>
    %convert_element_type3A_88 = arith.truncf %max3A_87 : vector<2048x128xf32> to vector<2048x128xbf16>
    %get3A_89 = arith.constant 0 : index
    %get3A_90 = arith.constant 0 : index
    %get3A_91 = vector.load %arg9[%get3A_89, %get3A_90] : memref<128x1xf32, #tpu.memory_space<vmem>>, vector<128x1xf32>
    %convert_element_type3A_92 = arith.truncf %get3A_91 : vector<128x1xf32> to vector<128x1xbf16>
    %dot_general3A_93 = arith.constant dense<0.000000e+00> : vector<2048x1xf32>
    %dot_general3A_94 = tpu.matmul %convert_element_type3A_88, %convert_element_type3A_92, %dot_general3A_93 {dimension_numbers = #tpu.dot_dimension_numbers<[1], [0], [0], [1], [0, 0, 1, 1], [], []>, transpose_lhs_hint = false} : vector<2048x128xbf16>, vector<128x1xbf16>, vector<2048x1xf32> -> vector<2048x1xf32>
    %squeeze3A = vector.shape_cast %dot_general3A_94 : vector<2048x1xf32> to vector<2048xf32>
    %get3A_95 = arith.constant 0 : index
    %get3A_96 = arith.constant 0 : index
    %get3A_97 = vector.load %arg10[%get3A_95, %get3A_96] : memref<1x1xf32, #tpu.memory_space<vmem>>, vector<1x1xf32>
    %get3A_98 = vector.extract %get3A_97[0, 0] : f32 from vector<1x1xf32>
    %add3A_99 = vector.broadcast %get3A_98 : f32 to vector<2048xf32>
    %add3A_100 = arith.addf %squeeze3A, %add3A_99 : vector<2048xf32>
    %add3A_101 = arith.addf %add3A_100, %select_n3A_49 : vector<2048xf32>
    %neg3A_102 = arith.constant 0.000000e+00 : f32
    %neg3A_103 = arith.constant 0x7F800000 : f32
    %neg3A_104 = arith.subf %neg3A_102, %neg3A_103 : f32
    %broadcast_in_dim3A_105 = vector.broadcast %neg3A_104 : f32 to vector<2048xf32>
    %select_n3A_106 = arith.select %gt3A_39, %add3A_101, %broadcast_in_dim3A_105 : vector<2048xi1>, vector<2048xf32>
    %swap3A = arith.constant 0 : index
    %swap3A_107 = arith.constant 0 : index
    %swap3A_108 = arith.constant 0 : index
    %swap3A_109 = vector.load %arg11[%swap3A, %swap3A_107, %swap3A_108] : memref<1x1x2048xf32, #tpu.memory_space<vmem>>, vector<1x1x2048xf32>
    %swap3A_110 = vector.shape_cast %swap3A_109 : vector<1x1x2048xf32> to vector<2048xf32>
    %swap3A_111 = vector.shape_cast %select_n3A_106 : vector<2048xf32> to vector<1x1x2048xf32>
    tpu.vector_store %arg11[%swap3A, %swap3A_107, %swap3A_108], %swap3A_111 {strides = array<i32>} : memref<1x1x2048xf32, #tpu.memory_space<vmem>>, vector<1x1x2048xf32>,
    %swap3A_112 = arith.constant 0 : index
    %swap3A_113 = arith.constant 0 : index
    %swap3A_114 = arith.constant 0 : index
    %swap3A_115 = vector.load %arg12[%swap3A_112, %swap3A_113, %swap3A_114] : memref<1x1x2048xf32, #tpu.memory_space<vmem>>, vector<1x1x2048xf32>
    %swap3A_116 = vector.shape_cast %swap3A_115 : vector<1x1x2048xf32> to vector<2048xf32>
    %swap3A_117 = vector.shape_cast %select_n3A_49 : vector<2048xf32> to vector<1x1x2048xf32>
    tpu.vector_store %arg12[%swap3A_112, %swap3A_113, %swap3A_114], %swap3A_117 {strides = array<i32>} : memref<1x1x2048xf32, #tpu.memory_space<vmem>>, vector<1x1x2048xf32>,
    return
  }
  func.func @transform_0(%arg0: i32, %arg1: i32) -> (i32, i32, i32) {
    %c0_i32 = arith.constant 0 : i32
    %c0_i32_0 = arith.constant 0 : i32
    %c0_i32_1 = arith.constant 0 : i32
    return %arg0, %c0_i32, %c0_i32_0 : i32, i32, i32
  }
  func.func @transform_1(%arg0: i32, %arg1: i32) -> (i32, i32, i32) {
    %c0_i32 = arith.constant 0 : i32
    %c0_i32_0 = arith.constant 0 : i32
    return %arg0, %arg1, %c0_i32 : i32, i32, i32
  }
  func.func @transform_2(%arg0: i32, %arg1: i32) -> (i32, i32, i32) {
    %c0_i32 = arith.constant 0 : i32
    %c0_i32_0 = arith.constant 0 : i32
    return %arg0, %c0_i32, %arg1 : i32, i32, i32
  }
  func.func @transform_3(%arg0: i32, %arg1: i32) -> (i32, i32) {
    %c0_i32 = arith.constant 0 : i32
    %c0_i32_0 = arith.constant 0 : i32
    %c0_i32_1 = arith.constant 0 : i32
    return %c0_i32, %c0_i32_0 : i32, i32
  }
  func.func @transform_4(%arg0: i32, %arg1: i32) -> (i32, i32) {
    %c0_i32 = arith.constant 0 : i32
    %c0_i32_0 = arith.constant 0 : i32
    %c0_i32_1 = arith.constant 0 : i32
    return %c0_i32, %c0_i32_0 : i32, i32
  }
  func.func @transform_5(%arg0: i32, %arg1: i32) -> (i32, i32) {
    %c0_i32 = arith.constant 0 : i32
    %c0_i32_0 = arith.constant 0 : i32
    %c0_i32_1 = arith.constant 0 : i32
    return %c0_i32, %c0_i32_0 : i32, i32
  }
  func.func @transform_6(%arg0: i32, %arg1: i32) -> (i32, i32) {
    %c0_i32 = arith.constant 0 : i32
    %c0_i32_0 = arith.constant 0 : i32
    %c0_i32_1 = arith.constant 0 : i32
    return %c0_i32, %c0_i32_0 : i32, i32
  }
  func.func @transform_7(%arg0: i32, %arg1: i32) -> (i32, i32) {
    %c0_i32 = arith.constant 0 : i32
    %c0_i32_0 = arith.constant 0 : i32
    %c0_i32_1 = arith.constant 0 : i32
    return %c0_i32, %c0_i32_0 : i32, i32
  }
  func.func @transform_8(%arg0: i32, %arg1: i32) -> (i32, i32) {
    %c0_i32 = arith.constant 0 : i32
    %c0_i32_0 = arith.constant 0 : i32
    %c0_i32_1 = arith.constant 0 : i32
    return %c0_i32, %c0_i32_0 : i32, i32
  }
  func.func @transform_9(%arg0: i32, %arg1: i32) -> (i32, i32, i32) {
    %c0_i32 = arith.constant 0 : i32
    %c0_i32_0 = arith.constant 0 : i32
    return %arg0, %c0_i32, %arg1 : i32, i32, i32
  }
  func.func @transform_10(%arg0: i32, %arg1: i32) -> (i32, i32, i32) {
    %c0_i32 = arith.constant 0 : i32
    %c0_i32_0 = arith.constant 0 : i32
    return %arg0, %c0_i32, %arg1 : i32, i32, i32
  }
}

module attributes {stable_mosaic.version = 14 : i64} {
  func.func @_score_body(%arg0: i32, %arg1: i32, %arg2: memref<1x1x4096xf32, #tpu.memory_space<vmem>>, %arg3: memref<1x2048x128xf32, #tpu.memory_space<vmem>>, %arg4: memref<1x1x2048xf32, #tpu.memory_space<vmem>>, %arg5: memref<128x128xf32, #tpu.memory_space<vmem>>, %arg6: memref<1x128xf32, #tpu.memory_space<vmem>>, %arg7: memref<1x128xf32, #tpu.memory_space<vmem>>, %arg8: memref<1x128xf32, #tpu.memory_space<vmem>>, %arg9: memref<128x1xf32, #tpu.memory_space<vmem>>, %arg10: memref<1x1xf32, #tpu.memory_space<vmem>>, %arg11: memref<1x1x2048xf32, #tpu.memory_space<vmem>>, %arg12: memref<1x1x2048xf32, #tpu.memory_space<vmem>>) attributes {dimension_semantics = [#tpu.dimension_semantics<arbitrary>, #tpu.dimension_semantics<arbitrary>], iteration_bounds = array<i64: 4, 2>, scalar_prefetch = 0 : i64, scratch_operands = 0 : i64, tpu.core_type = #tpu.core_type<tc>, window_params = [{transform_indices = @transform_0, window_bounds = array<i64: 1, 1, 4096>}, {transform_indices = @transform_1, window_bounds = array<i64: 1, 2048, 128>}, {transform_indices = @transform_2, window_bounds = array<i64: 1, 1, 2048>}, {pipeline_mode = #tpu.pipeline_mode<synchronous>, transform_indices = @transform_3, window_bounds = array<i64: 128, 128>}, {pipeline_mode = #tpu.pipeline_mode<synchronous>, transform_indices = @transform_4, window_bounds = array<i64: 1, 128>}, {pipeline_mode = #tpu.pipeline_mode<synchronous>, transform_indices = @transform_5, window_bounds = array<i64: 1, 128>}, {pipeline_mode = #tpu.pipeline_mode<synchronous>, transform_indices = @transform_6, window_bounds = array<i64: 1, 128>}, {pipeline_mode = #tpu.pipeline_mode<synchronous>, transform_indices = @transform_7, window_bounds = array<i64: 128, 1>}, {pipeline_mode = #tpu.pipeline_mode<synchronous>, transform_indices = @transform_8, window_bounds = array<i64: 1, 1>}, {transform_indices = @transform_9, window_bounds = array<i64: 1, 1, 2048>}, {transform_indices = @transform_10, window_bounds = array<i64: 1, 1, 2048>}]} {
    %get3A = arith.constant 0 : index
    %get3A_0 = arith.constant 0 : index
    %get3A_1 = arith.constant 0 : index
    %get3A_2 = vector.load %arg2[%get3A, %get3A_0, %get3A_1] : memref<1x1x4096xf32, #tpu.memory_space<vmem>>, vector<1x1x4096xf32>
    %get3A_3 = vector.shape_cast %get3A_2 : vector<1x1x4096xf32> to vector<4096xf32>
    %broadcast_in_dim3A = arith.constant true
    %broadcast_in_dim3A_4 = vector.broadcast %broadcast_in_dim3A : i1 to vector<4096xi1>
    %jit3A = arith.constant 0x7F800000 : f32
    %broadcast_in_dim3A_5 = vector.broadcast %jit3A : f32 to vector<4096xf32>
    %select_n3A = arith.select %broadcast_in_dim3A_4, %get3A_3, %broadcast_in_dim3A_5 : vector<4096xi1>, vector<4096xf32>
    %reduce_min3A = vector.shape_cast %select_n3A : vector<4096xf32> to vector<1x4096xf32>
    %reduce_min3A_6 = arith.constant dense<0x7F800000> : vector<1xf32>
    %reduce_min3A_7 = vector.multi_reduction <minimumf>, %reduce_min3A, %reduce_min3A_6 [1] : vector<1x4096xf32> to vector<1xf32>
    %reduce_min3A_8 = vector.shape_cast %reduce_min3A_7 : vector<1xf32> to vector<1x1xf32>
    %reduce_min3A_9 = vector.extract %reduce_min3A_8[0, 0] : f32 from vector<1x1xf32>
    %neg3A = arith.constant 0.000000e+00 : f32
    %neg3A_10 = arith.constant 0x7F800000 : f32
    %neg3A_11 = arith.subf %neg3A, %neg3A_10 : f32
    %broadcast_in_dim3A_12 = vector.broadcast %neg3A_11 : f32 to vector<4096xf32>
    %select_n3A_13 = arith.select %broadcast_in_dim3A_4, %get3A_3, %broadcast_in_dim3A_12 : vector<4096xi1>, vector<4096xf32>
    %reduce_max3A = vector.shape_cast %select_n3A_13 : vector<4096xf32> to vector<1x4096xf32>
    %reduce_max3A_14 = arith.constant dense<0xFF800000> : vector<1xf32>
    %reduce_max3A_15 = vector.multi_reduction <maximumf>, %reduce_max3A, %reduce_max3A_14 [1] : vector<1x4096xf32> to vector<1xf32>
    %reduce_max3A_16 = vector.shape_cast %reduce_max3A_15 : vector<1xf32> to vector<1x1xf32>
    %reduce_max3A_17 = vector.extract %reduce_max3A_16[0, 0] : f32 from vector<1x1xf32>
    %reduce_or3A = arith.constant 1.000000e+00 : f32
    %reduce_or3A_18 = arith.constant 0.000000e+00 : f32
    %reduce_or3A_19 = vector.broadcast %reduce_or3A : f32 to vector<4096xf32>
    %reduce_or3A_20 = vector.broadcast %reduce_or3A_18 : f32 to vector<4096xf32>
    %reduce_or3A_21 = arith.select %broadcast_in_dim3A_4, %reduce_or3A_19, %reduce_or3A_20 : vector<4096xi1>, vector<4096xf32>
    %reduce_or3A_22 = vector.shape_cast %reduce_or3A_21 : vector<4096xf32> to vector<1x4096xf32>
    %reduce_or3A_23 = arith.constant dense<0xFF800000> : vector<1xf32>
    %reduce_or3A_24 = vector.multi_reduction <maximumf>, %reduce_or3A_22, %reduce_or3A_23 [1] : vector<1x4096xf32> to vector<1xf32>
    %reduce_or3A_25 = vector.shape_cast %reduce_or3A_24 : vector<1xf32> to vector<1x1xf32>
    %reduce_or3A_26 = vector.extract %reduce_or3A_25[0, 0] : f32 from vector<1x1xf32>
    %reduce_or3A_27 = arith.constant 0.000000e+00 : f32
    %reduce_or3A_28 = arith.cmpf ogt, %reduce_or3A_26, %reduce_or3A_27 : f32
    %sub3A = arith.subf %reduce_max3A_17, %reduce_min3A_9 : f32
    %abs3A = math.absf %sub3A : f32
    %lt3A = arith.constant 9.99999997E-7 : f32
    %lt3A_29 = arith.cmpf olt, %abs3A, %lt3A : f32
    %jit3A_30 = arith.constant 1.000000e+00 : f32
    %select_n3A_31 = arith.select %lt3A_29, %jit3A_30, %sub3A : f32
    %get3A_32 = arith.constant 0 : index
    %get3A_33 = arith.constant 0 : index
    %get3A_34 = arith.constant 0 : index
    %get3A_35 = vector.load %arg4[%get3A_32, %get3A_33, %get3A_34] : memref<1x1x2048xf32, #tpu.memory_space<vmem>>, vector<1x1x2048xf32>
    %get3A_36 = vector.shape_cast %get3A_35 : vector<1x1x2048xf32> to vector<2048xf32>
    %broadcast_in_dim3A_37 = arith.constant true
    %broadcast_in_dim3A_38 = vector.broadcast %broadcast_in_dim3A_37 : i1 to vector<2048xi1>
    %sub3A_39 = vector.broadcast %reduce_min3A_9 : f32 to vector<2048xf32>
    %sub3A_40 = arith.subf %get3A_36, %sub3A_39 : vector<2048xf32>
    %div3A = vector.broadcast %select_n3A_31 : f32 to vector<2048xf32>
    %div3A_41 = arith.divf %sub3A_40, %div3A : vector<2048xf32>
    %jit3A_42 = arith.constant 1.000000e+00 : f32
    %broadcast_in_dim3A_43 = vector.broadcast %jit3A_42 : f32 to vector<2048xf32>
    %select_n3A_44 = arith.select %lt3A_29, %broadcast_in_dim3A_43, %div3A_41 : vector<2048xf32>
    %and3A = vector.broadcast %reduce_or3A_28 : i1 to vector<2048xi1>
    %and3A_45 = arith.andi %broadcast_in_dim3A_38, %and3A : vector<2048xi1>
    %jit3A_46 = arith.constant 0.000000e+00 : f32
    %broadcast_in_dim3A_47 = vector.broadcast %jit3A_46 : f32 to vector<2048xf32>
    %select_n3A_48 = arith.select %and3A_45, %select_n3A_44, %broadcast_in_dim3A_47 : vector<2048xi1>, vector<2048xf32>
    %get3A_49 = arith.constant 0 : index
    %get3A_50 = arith.constant 0 : index
    %get3A_51 = arith.constant 0 : index
    %get3A_52 = vector.load %arg3[%get3A_49, %get3A_50, %get3A_51] : memref<1x2048x128xf32, #tpu.memory_space<vmem>>, vector<1x2048x128xf32>
    %get3A_53 = vector.shape_cast %get3A_52 : vector<1x2048x128xf32> to vector<2048x128xf32>
    %get3A_54 = arith.constant 0 : index
    %get3A_55 = arith.constant 0 : index
    %get3A_56 = vector.load %arg8[%get3A_54, %get3A_55] : memref<1x128xf32, #tpu.memory_space<vmem>>, vector<1x128xf32>
    %get3A_57 = vector.shape_cast %get3A_56 : vector<1x128xf32> to vector<128xf32>
    %broadcast_in_dim3A_58 = vector.shape_cast %get3A_57 : vector<128xf32> to vector<1x128xf32>
    %add3A = vector.broadcast %broadcast_in_dim3A_58 : vector<1x128xf32> to vector<2048x128xf32>
    %add3A_59 = arith.addf %get3A_53, %add3A : vector<2048x128xf32>
    %convert_element_type3A = arith.truncf %add3A_59 : vector<2048x128xf32> to vector<2048x128xbf16>
    %convert_element_type3A_60 = arith.truncf %select_n3A_48 : vector<2048xf32> to vector<2048xbf16>
    %broadcast_in_dim3A_61 = arith.constant 0.000000e+00 : bf16
    %broadcast_in_dim3A_62 = vector.broadcast %broadcast_in_dim3A_61 : bf16 to vector<2048x127xbf16>
    %broadcast_in_dim3A_63 = vector.shape_cast %convert_element_type3A_60 : vector<2048xbf16> to vector<2048x1xbf16>
    %concatenate3A = tpu.concatenate %convert_element_type3A, %broadcast_in_dim3A_63, %broadcast_in_dim3A_62 in 1 : vector<2048x128xbf16>, vector<2048x1xbf16>, vector<2048x127xbf16> -> vector<2048x256xbf16>
    %get3A_64 = arith.constant 0 : index
    %get3A_65 = arith.constant 0 : index
    %get3A_66 = vector.load %arg5[%get3A_64, %get3A_65] : memref<128x128xf32, #tpu.memory_space<vmem>>, vector<128x128xf32>
    %convert_element_type3A_67 = arith.truncf %get3A_66 : vector<128x128xf32> to vector<128x128xbf16>
    %get3A_68 = arith.constant 0 : index
    %get3A_69 = arith.constant 0 : index
    %get3A_70 = vector.load %arg6[%get3A_68, %get3A_69] : memref<1x128xf32, #tpu.memory_space<vmem>>, vector<1x128xf32>
    %get3A_71 = vector.shape_cast %get3A_70 : vector<1x128xf32> to vector<128xf32>
    %convert_element_type3A_72 = arith.truncf %get3A_71 : vector<128xf32> to vector<128xbf16>
    %broadcast_in_dim3A_73 = arith.constant 0.000000e+00 : bf16
    %broadcast_in_dim3A_74 = vector.broadcast %broadcast_in_dim3A_73 : bf16 to vector<127x128xbf16>
    %broadcast_in_dim3A_75 = vector.shape_cast %convert_element_type3A_72 : vector<128xbf16> to vector<1x128xbf16>
    %concatenate3A_76 = tpu.concatenate %convert_element_type3A_67, %broadcast_in_dim3A_75, %broadcast_in_dim3A_74 in 0 : vector<128x128xbf16>, vector<1x128xbf16>, vector<127x128xbf16> -> vector<256x128xbf16>
    %dot_general3A = arith.constant dense<0.000000e+00> : vector<2048x128xf32>
    %dot_general3A_77 = tpu.matmul %concatenate3A, %concatenate3A_76, %dot_general3A {dimension_numbers = #tpu.dot_dimension_numbers<[1], [0], [0], [1], [0, 0, 1, 1], [], []>, transpose_lhs_hint = false} : vector<2048x256xbf16>, vector<256x128xbf16>, vector<2048x128xf32> -> vector<2048x128xf32>
    %get3A_78 = arith.constant 0 : index
    %get3A_79 = arith.constant 0 : index
    %get3A_80 = vector.load %arg7[%get3A_78, %get3A_79] : memref<1x128xf32, #tpu.memory_space<vmem>>, vector<1x128xf32>
    %get3A_81 = vector.shape_cast %get3A_80 : vector<1x128xf32> to vector<128xf32>
    %broadcast_in_dim3A_82 = vector.shape_cast %get3A_81 : vector<128xf32> to vector<1x128xf32>
    %add3A_83 = vector.broadcast %broadcast_in_dim3A_82 : vector<1x128xf32> to vector<2048x128xf32>
    %add3A_84 = arith.addf %dot_general3A_77, %add3A_83 : vector<2048x128xf32>
    %max3A = arith.constant 0.000000e+00 : f32
    %max3A_85 = vector.broadcast %max3A : f32 to vector<2048x128xf32>
    %max3A_86 = arith.maximumf %add3A_84, %max3A_85 : vector<2048x128xf32>
    %convert_element_type3A_87 = arith.truncf %max3A_86 : vector<2048x128xf32> to vector<2048x128xbf16>
    %get3A_88 = arith.constant 0 : index
    %get3A_89 = arith.constant 0 : index
    %get3A_90 = vector.load %arg9[%get3A_88, %get3A_89] : memref<128x1xf32, #tpu.memory_space<vmem>>, vector<128x1xf32>
    %convert_element_type3A_91 = arith.truncf %get3A_90 : vector<128x1xf32> to vector<128x1xbf16>
    %dot_general3A_92 = arith.constant dense<0.000000e+00> : vector<2048x1xf32>
    %dot_general3A_93 = tpu.matmul %convert_element_type3A_87, %convert_element_type3A_91, %dot_general3A_92 {dimension_numbers = #tpu.dot_dimension_numbers<[1], [0], [0], [1], [0, 0, 1, 1], [], []>, transpose_lhs_hint = false} : vector<2048x128xbf16>, vector<128x1xbf16>, vector<2048x1xf32> -> vector<2048x1xf32>
    %squeeze3A = vector.shape_cast %dot_general3A_93 : vector<2048x1xf32> to vector<2048xf32>
    %get3A_94 = arith.constant 0 : index
    %get3A_95 = arith.constant 0 : index
    %get3A_96 = vector.load %arg10[%get3A_94, %get3A_95] : memref<1x1xf32, #tpu.memory_space<vmem>>, vector<1x1xf32>
    %get3A_97 = vector.extract %get3A_96[0, 0] : f32 from vector<1x1xf32>
    %add3A_98 = vector.broadcast %get3A_97 : f32 to vector<2048xf32>
    %add3A_99 = arith.addf %squeeze3A, %add3A_98 : vector<2048xf32>
    %add3A_100 = arith.addf %add3A_99, %select_n3A_48 : vector<2048xf32>
    %neg3A_101 = arith.constant 0.000000e+00 : f32
    %neg3A_102 = arith.constant 0x7F800000 : f32
    %neg3A_103 = arith.subf %neg3A_101, %neg3A_102 : f32
    %broadcast_in_dim3A_104 = vector.broadcast %neg3A_103 : f32 to vector<2048xf32>
    %select_n3A_105 = arith.select %broadcast_in_dim3A_38, %add3A_100, %broadcast_in_dim3A_104 : vector<2048xi1>, vector<2048xf32>
    %swap3A = arith.constant 0 : index
    %swap3A_106 = arith.constant 0 : index
    %swap3A_107 = arith.constant 0 : index
    %swap3A_108 = vector.load %arg11[%swap3A, %swap3A_106, %swap3A_107] : memref<1x1x2048xf32, #tpu.memory_space<vmem>>, vector<1x1x2048xf32>
    %swap3A_109 = vector.shape_cast %swap3A_108 : vector<1x1x2048xf32> to vector<2048xf32>
    %swap3A_110 = vector.shape_cast %select_n3A_105 : vector<2048xf32> to vector<1x1x2048xf32>
    tpu.vector_store %arg11[%swap3A, %swap3A_106, %swap3A_107], %swap3A_110 {strides = array<i32>} : memref<1x1x2048xf32, #tpu.memory_space<vmem>>, vector<1x1x2048xf32>,
    %swap3A_111 = arith.constant 0 : index
    %swap3A_112 = arith.constant 0 : index
    %swap3A_113 = arith.constant 0 : index
    %swap3A_114 = vector.load %arg12[%swap3A_111, %swap3A_112, %swap3A_113] : memref<1x1x2048xf32, #tpu.memory_space<vmem>>, vector<1x1x2048xf32>
    %swap3A_115 = vector.shape_cast %swap3A_114 : vector<1x1x2048xf32> to vector<2048xf32>
    %swap3A_116 = vector.shape_cast %select_n3A_48 : vector<2048xf32> to vector<1x1x2048xf32>
    tpu.vector_store %arg12[%swap3A_111, %swap3A_112, %swap3A_113], %swap3A_116 {strides = array<i32>} : memref<1x1x2048xf32, #tpu.memory_space<vmem>>, vector<1x1x2048xf32>,
    return
  }
  func.func @transform_0(%arg0: i32, %arg1: i32) -> (i32, i32, i32) {
    %c0_i32 = arith.constant 0 : i32
    %c0_i32_0 = arith.constant 0 : i32
    %c0_i32_1 = arith.constant 0 : i32
    return %arg0, %c0_i32, %c0_i32_0 : i32, i32, i32
  }
  func.func @transform_1(%arg0: i32, %arg1: i32) -> (i32, i32, i32) {
    %c0_i32 = arith.constant 0 : i32
    %c0_i32_0 = arith.constant 0 : i32
    return %arg0, %arg1, %c0_i32 : i32, i32, i32
  }
  func.func @transform_2(%arg0: i32, %arg1: i32) -> (i32, i32, i32) {
    %c0_i32 = arith.constant 0 : i32
    %c0_i32_0 = arith.constant 0 : i32
    return %arg0, %c0_i32, %arg1 : i32, i32, i32
  }
  func.func @transform_3(%arg0: i32, %arg1: i32) -> (i32, i32) {
    %c0_i32 = arith.constant 0 : i32
    %c0_i32_0 = arith.constant 0 : i32
    %c0_i32_1 = arith.constant 0 : i32
    return %c0_i32, %c0_i32_0 : i32, i32
  }
  func.func @transform_4(%arg0: i32, %arg1: i32) -> (i32, i32) {
    %c0_i32 = arith.constant 0 : i32
    %c0_i32_0 = arith.constant 0 : i32
    %c0_i32_1 = arith.constant 0 : i32
    return %c0_i32, %c0_i32_0 : i32, i32
  }
  func.func @transform_5(%arg0: i32, %arg1: i32) -> (i32, i32) {
    %c0_i32 = arith.constant 0 : i32
    %c0_i32_0 = arith.constant 0 : i32
    %c0_i32_1 = arith.constant 0 : i32
    return %c0_i32, %c0_i32_0 : i32, i32
  }
  func.func @transform_6(%arg0: i32, %arg1: i32) -> (i32, i32) {
    %c0_i32 = arith.constant 0 : i32
    %c0_i32_0 = arith.constant 0 : i32
    %c0_i32_1 = arith.constant 0 : i32
    return %c0_i32, %c0_i32_0 : i32, i32
  }
  func.func @transform_7(%arg0: i32, %arg1: i32) -> (i32, i32) {
    %c0_i32 = arith.constant 0 : i32
    %c0_i32_0 = arith.constant 0 : i32
    %c0_i32_1 = arith.constant 0 : i32
    return %c0_i32, %c0_i32_0 : i32, i32
  }
  func.func @transform_8(%arg0: i32, %arg1: i32) -> (i32, i32) {
    %c0_i32 = arith.constant 0 : i32
    %c0_i32_0 = arith.constant 0 : i32
    %c0_i32_1 = arith.constant 0 : i32
    return %c0_i32, %c0_i32_0 : i32, i32
  }
  func.func @transform_9(%arg0: i32, %arg1: i32) -> (i32, i32, i32) {
    %c0_i32 = arith.constant 0 : i32
    %c0_i32_0 = arith.constant 0 : i32
    return %arg0, %c0_i32, %arg1 : i32, i32, i32
  }
  func.func @transform_10(%arg0: i32, %arg1: i32) -> (i32, i32, i32) {
    %c0_i32 = arith.constant 0 : i32
    %c0_i32_0 = arith.constant 0 : i32
    return %arg0, %c0_i32, %arg1 : i32, i32, i32
  }
}

</mosaic_0001>

<sc_bundles>
// kernel: gather_offload_async_start.1
scs
__scs_entry_jumppad:
0x0: {  	(pc) =	sbr.rel $0x88, $3  }
0x1: {  	(tag) =	ssettag $0x0;
	lr =	simm.s32 $0x1  }
0x2: {  	[smem:$0x3F90] =	sst lr;
	_ =	strace $0xD0000000  }
0x3: {  	_ = 	snop  }
0x4: {  	_ = 	snop  }
0x5: {  	_ = 	snop  }
0x6: {  	_ = 	snop  }
0x7: {  	_ = 	snop  }
__scs_overlays_trampoline_lowered:
0x8: {  	[smem:$0x3F9F] =	sst s0  }
0x9: {  	[smem:$0x3FA0] =	sst s1  }
0xa: {  	[smem:$0x3FA1] =	sst s2  }
0xb: {  	[smem:$0x3FA2] =	sst s3  }
0xc: {  	[smem:$0x3FA3] =	sst s4  }
0xd: {  	[smem:$0x3FA4] =	sst s5  }
0xe: {  	[smem:$0x3FA5] =	sst s6  }
0xf: {  	[smem:$0x3FA6] =	sst s7  }
0x10: {  	[smem:$0x3FA7] =	sst s8  }
0x11: {  	[smem:$0x3FA8] =	sst s9;
	s0 =	simm.s32 @!p0 $0x0  }
0x12: {  	s1 =	sld [smem:$0x3F8E];
	s0 =	simm.s32 @p0 $0x1  }
0x13: {  	[smem:$0x3FA9] =	sst s0;
	s0 =	simm.s32 @!p1 $0x0  }
0x14: {  	s2 =	sld [smem:$0x3F8D];
	s0 =	simm.s32 @p1 $0x1  }
0x15: {  	[smem:$0x3FAA] =	sst s0;
	s0 =	simm.s32 @!p2 $0x0  }
0x16: {  	s3 =	sld [smem:$0x3FDB];
	s0 =	simm.s32 @p2 $0x1  }
0x17: {  	s4 =	simm.s32 $0x1BF5;
	[smem:$0x3FAC] =	sst s0  }
0x18: {  	s0 =	sld [smem:$0x3F8F];
	_ =	swait.ge [sflag:s4], $0x0  }
0x19: {  	s7 =	sld [smem:$0x3F90]  }
0x1a: {  	s8 =	sadd.s32 $0xFFFFE003, lr  }
0x1b: {  	s9 =	sadd.s32 $0xFFFFFEF7, lr;
	s5 =	simm.s32 $0xFFFFFFFF;
	p2 =	slt.u32 s8, $0xFFFFF086  }
0x1c: {  	p1 =	slt.u32 s9, $0xF7A;
	s5 =	simm.s32 @!p2 $0x0  }
0x1d: {  	s5 =	simm.s32 @p1 $0x1;
	p0 =	seq.s32 s7, s2  }
0x1e: {  	s7 =	smul.u32 @!p0 $0xF7A, s2;
	p2 =	seq.s32 @!p0 s5, $0x0  }
0x1f: {  	s9 =	smul.u32 $0xF7A, s1;
	s8 =	simm.s32 @!p0 $0x1BF5;
	p2 =	por !p2, p0  }
0x20: {  	[sflag:s8] =	ssyncset.s32 @!p0 $0xFFFFF086;
	s6 =	sadd.s32 @!p0 s3, s7;
	s7 =	simm.s32 @!p0 $0x108  }
0x21: {  	s3 =	sadd.s32 s3, s9;
	s6 =	sadd.s32 @!p0 $0x88, s6;
	s7 =	simm.s32 @p2 $0x1082  }
0x22: {  	[simem:s7], [sflag:s8] =	dma.local @!p0 [hbm:s6], $0xF7A  }
0x23: {  	s9 =	sor.u32 $0xD0000000, s2;
	s6 =	simm.s32 $0x108;
	_ =	swait.ge @!p0 [sflag:s8], $0x0  }
0x24: {  	s3 =	sadd.s32 $0x88, s3;
	s6 =	simm.s32 @!p1 $0x1082;
	[sflag:s4] =	ssyncset.s32 $0xFFFFF086  }
0x25: {  	[simem:s6], [sflag:s4] =	dma.local [hbm:s3], $0xF7A  }
0x26: {  	[smem:$0x3F90] =	sst s1;
	(tag) =	ssettag s2;
	_ =	strace s9  }
0x27: {  	s1 =	sld [smem:$0x3FA0]  }
0x28: {  	s2 =	sld [smem:$0x3FA1]  }
0x29: {  	s4 =	sld [smem:$0x3FA3]  }
0x2a: {  	p0 =	seq.s32 s5, $0x0;
	s5 =	sld [smem:$0x3FA4]  }
0x2b: {  	s6 =	sld [smem:$0x3FA5]  }
0x2c: {  	s7 =	sld [smem:$0x3FA6]  }
0x2d: {  	s3 =	simm.s32 $0x108;
	s8 =	sld [smem:$0x3FA7]  }
0x2e: {  	s3 =	simm.s32 @!p0 $0x1082;
	s9 =	sld [smem:$0x3FA8]  }
0x2f: {  	lr =	sadd.s32 s0, s3;
	s0 =	sld [smem:$0x3F9F]  }
0x30: {  	s3 =	sld [smem:$0x3FA2]  }
0x31: {  	[smem:$0x3FAB] =	sst s10  }
0x32: {  	s10 =	sld [smem:$0x3FA9];
	_ =	sdelay $0x3  }
0x33: {  	p0 =	seq.s32 s10, $0x1;
	s10 =	sld [smem:$0x3FAB];
	_ =	sdelay $0x3  }
0x34: {  	[smem:$0x3FAB] =	sst s10  }
0x35: {  	s10 =	sld [smem:$0x3FAA];
	_ =	sdelay $0x3  }
0x36: {  	p1 =	seq.s32 s10, $0x1;
	s10 =	sld [smem:$0x3FAB];
	_ =	sdelay $0x3  }
0x37: {  	[smem:$0x3FAB] =	sst s10  }
0x38: {  	s10 =	sld [smem:$0x3FAC]  }
0x39: {  	_ = 	snop;
	(pc) =	sbr.ind lr, $3  }
0x3a: {  	_ = 	snop  }
0x3b: {  	_ = 	snop  }
0x3c: {  	p2 =	seq.s32 s10, $0x1;
	s10 =	sld [smem:$0x3FAB]  }
0x3d: {  	_ =	shalt  }
0x3e: {  	_ =	shalt  }
0x3f: {  	_ =	shalt  }
0x40: {  	_ =	shalt  }
0x41: {  	_ =	shalt  }
0x42: {  	_ =	shalt  }
0x43: {  	_ =	shalt  }
0x44: {  	_ =	shalt  }
0x45: {  	_ =	shalt  }
0x46: {  	_ =	shalt  }
0x47: {  	_ =	shalt  }
0x48: {  	_ =	shalt  }
0x49: {  	_ =	shalt  }
0x4a: {  	_ =	shalt  }
0x4b: {  	_ =	shalt  }
0x4c: {  	_ =	shalt  }
0x4d: {  	_ =	shalt  }
0x4e: {  	_ =	shalt  }
0x4f: {  	_ =	shalt  }
0x50: {  	_ =	shalt  }
0x51: {  	_ =	shalt  }
0x52: {  	_ =	shalt  }
0x53: {  	_ =	shalt  }
0x54: {  	_ =	shalt  }
0x55: {  	_ =	shalt  }
0x56: {  	_ =	shalt  }
0x57: {  	_ =	shalt  }
0x58: {  	_ =	shalt  }
0x59: {  	_ =	shalt  }
0x5a: {  	_ =	shalt  }
0x5b: {  	_ =	shalt  }
0x5c: {  	_ =	shalt  }
0x5d: {  	_ =	shalt  }
0x5e: {  	_ =	shalt  }
0x5f: {  	_ =	shalt  }
0x60: {  	_ =	shalt  }
0x61: {  	_ =	shalt  }
0x62: {  	_ =	shalt  }
0x63: {  	_ =	shalt  }
0x64: {  	_ =	shalt  }
0x65: {  	_ =	shalt  }
0x66: {  	_ =	shalt  }
0x67: {  	_ =	shalt  }
0x68: {  	_ =	shalt  }
0x69: {  	_ =	shalt  }
0x6a: {  	_ =	shalt  }
0x6b: {  	_ =	shalt  }
0x6c: {  	_ =	shalt  }
0x6d: {  	_ =	shalt  }
0x6e: {  	_ =	shalt  }
0x6f: {  	_ =	shalt  }
0x70: {  	_ =	shalt  }
0x71: {  	_ =	shalt  }
0x72: {  	_ =	shalt  }
0x73: {  	_ =	shalt  }
0x74: {  	_ =	shalt  }
0x75: {  	_ =	shalt  }
0x76: {  	_ =	shalt  }
0x77: {  	_ =	shalt  }
0x78: {  	_ =	shalt  }
0x79: {  	_ =	shalt  }
0x7a: {  	_ =	shalt  }
0x7b: {  	_ =	shalt  }
0x7c: {  	_ =	shalt  }
0x7d: {  	_ =	shalt  }
0x7e: {  	_ =	shalt  }
0x7f: {  	_ =	shalt  }
0x80: {  	_ =	shalt  }
0x81: {  	_ =	shalt  }
0x82: {  	_ =	shalt  }
0x83: {  	_ =	shalt  }
0x84: {  	_ =	shalt  }
0x85: {  	_ =	shalt  }
0x86: {  	_ =	shalt  }
0x87: {  	_ =	shalt  }
.Lfunc_end0:
.L_simem_size_0:
called_computation.1_lowered:
.L_overlay_start_0:
0x88: {  	s2 =	sld [smem:$0x3FD9]  }
0x89: {  	s3 =	sld [smem:$0x3FFE];
	_ =	sdelay $0x1  }
0x8a: {  	s1 =	srdreg.scid  }
0x8b: {  	s0 =	sand.u32 $0x1, s1  }
0x8c: {  	s17 =	sshll.u32 s0, $0xA;
	s2 =	sadd.s32 s3, s2  }
0x8d: {  	s2 =	sadd.s32 s2, s17  }
0x8e: {  	[smem:$0x3FB7] =	sst s2  }
0x8f: {  	_ = 	snop  }
0x90: {  	s18 =	sld [smem:$0x3FC3];
	(tm) =	ssettm $0x1  }
0x91: {  	s19 =	sld [smem:$0x3FFB];
	_ =	sdelay $0x3  }
0x92: {  	_ =	strace s19  }
0x93: {  	s2 =	sld [smem:$0x3FFC];
	_ =	sdelay $0x3  }
0x94: {  	_ =	strace s2  }
0x95: {  	s2 =	sld [smem:$0x3FFD];
	_ =	sdelay $0x3  }
0x96: {  	_ =	strace s2  }
0x97: {  	_ =	strace $0x8FFFFFFF  }
0x98: {  	s20 =	sld [smem:$0x3FDB];
	_ =	sdelay $0x1  }
0x99: {  	s4 =	simm.s32 $_scs_section_size  }
0x9a: {  	s5 =	simm.s32 $_size__tile_overlayer_lowered;
	s6 =	simm.s32 $_tile_overlayer_lowered  }
0x9b: {  	s7 =	simm.s32 $0x1BFF;
	s21 =	sshll.u32 s6, $0x1;
	s4 =	sadd.s32 s4, s20  }
0x9c: {  	s22 =	simm.s32 $0x0;
	s5 =	sshll.u32 s5, $0x1;
	s6 =	sadd.s32 s21, s4  }
0x9d: {  	[timem:s22], [sflag:s7] =	dma.local [hbm:s6], s5  }
0x9e: {  	_ =	swait.ge [sflag:s7], s5  }
0x9f: {  	s5 =	ssub.s32 $0x0, s5;
	[sflag:s7] =	ssyncset.done $0x0  }
0xa0: {  	[sflag:s7] =	ssyncadd.s32 s5;
	_ =	sdelay $0x1  }
0xa1: {  	s23 =	simm.s32 $0x1B8B  }
0xa2: {  	_ =	swait.ge [sflag:s23], $0x1  }
0xa3: {  	[sflag:s23] =	ssyncset.done $0x0  }
0xa4: {  	[sflag:s23] =	ssyncadd.s32 $0xFFFFFFFF  }
0xa5: {  	s5 =	sld [smem:$0x0]  }
0xa6: {  	s6 =	sand.u32 $0xFFFFFFFE, s1  }
0xa7: {  	p0 =	sne.s32 s1, s6  }
0xa8: {  	s6 =	sshll.u32 @p0 s6, $0xE  }
0xa9: {  	s6 =	sadd.s32 @p0 $0x11B8D, s6;
	s7 =	sshll.u32 @p0 s5, $0x11  }
0xaa: {  	s6 =	sor.u32 @p0 s7, s6  }
0xab: {  	[sflag:s6] =	ssyncadd.remote.s32 @p0 $0x1;
	_ =	sdelay $0x1  }
0xac: {  	s6 =	simm.s32 @p0 $0x1B8D  }
0xad: {  	_ =	swait.eq @p0 [sflag:s6], $0x1  }
0xae: {  	[sflag:s6] =	ssyncadd.s32 @p0 $0xFFFFFFFF  }
0xaf: {  	s7 =	sshll.u32 @!p0 s1, $0xE  }
0xb0: {  	s7 =	sor.u32 @!p0 $0x4000, s7;
	s6 =	simm.s32 @!p0 $0x1B8D  }
0xb1: {  	s5 =	sshll.u32 @!p0 s5, $0x11;
	s7 =	sadd.s32 @!p0 $0x11B8D, s7;
	_ =	swait.eq @!p0 [sflag:s6], $0x1  }
0xb2: {  	s5 =	sor.u32 @!p0 s5, s7;
	[sflag:s6] =	ssyncadd.s32 @!p0 $0xFFFFFFFF  }
0xb3: {  	s25 =	simm.s32 $0x1B8E;
	s24 =	sld [smem:$0x3FFE];
	[sflag:s5] =	ssyncadd.remote.s32 @!p0 $0x1  }
0xb4: {  	s26 =	simm.s32 $execute0_lowered;
	[smem:$0x3FD2] =	sst s25  }
0xb5: {  	s6 =	sshll.u32 s26, $0x1;
	_ =	strace $0x8000004C;
	[dreg:$0x1] =	wrdreg $0xFFFFFFFF  }
0xb6: {  	s28 =	simm.s32 $_size_execute0_lowered;
	s4 =	sadd.s32 s4, s6;
	[dreg:$0x0] =	wrdreg $0x0  }
0xb7: {  	s6 =	sshll.u32 s28, $0x1;
	[dreg:$0x2] =	wrdreg s4  }
0xb8: {  	[dreg:$0x3] =	wrdreg s6  }
0xb9: {  	[dreg:$0x4] =	wrdreg $0xC0  }
0xba: {  	_ =	task [dreg:s22], $0x5FFFF  }
0xbb: {  	[dreg:$0x1] =	wrdreg $0xFFFFFFFF  }
0xbc: {  	[dreg:$0x0] =	wrdreg $0x60  }
0xbd: {  	[dreg:$0x2] =	wrdreg s18  }
0xbe: {  	[dreg:$0x3] =	wrdreg s24  }
0xbf: {  	[dreg:$0x4] =	wrdreg $0xA  }
0xc0: {  	_ =	task.clear_ibuf [dreg:s22], $0x5FFFF;
	_ =	strace $0x9000004C  }
0xc1: {  	s29 =	simm.s32 $0xA;
	_ =	strace $0x8000004E  }
0xc2: {  	_ =	swait.ge [sflag:s29], $0x1  }
0xc3: {  	[sflag:s29] =	ssyncadd.s32 $0xFFFFFFFF  }
0xc4: {  	_ =	strace $0x9000004E  }
0xc5: {  	_ =	sfence  }
0xc6: {  	s30 =	sld [smem:$0x0];
	_ =	sdelay $0x2  }
0xc7: {  	s31 =	sshll.u32 s1, $0xD;
	s1 =	sshrl.u32 s1, $0x2  }
0xc8: {  	s4 =	sand.u32 $0x4000, s31;
	s1 =	sadd.s32 s1, s30  }
0xc9: {  	s0 =	sor.u32 s4, s0;
	s1 =	sshll.u32 s1, $0x11  }
0xca: {  	s0 =	sor.u32 s1, s0  }
0xcb: {  	s0 =	sadd.s32 $0x8F2B, s0  }
0xcc: {  	[sflag:s0] =	ssyncadd.remote.s32 $0x1  }
0xcd: {  	_ =	sfence.sel $0xFFFF  }
0xce: {  	[dreg:$0x0] =	wrdreg $0xFFFFFFFF;
	(pc) =	sbr.abs _section_cstart, $3  }
0xcf: {  	[dreg:$0x1] =	wrdreg $0xFFFFFFFF  }
0xd0: {  	_ =	task.clear_ibuf [dreg:s22], $0x2FFFF;
	_ =	strace $0x9FFFFFFF  }
0xd1: {  	(tm) =	ssettm $0x7FFFFFFF  }
tec
execute0_lowered:
.L_overlay_start_1:
0x0: {  	(tag) =	ssettag $0x1  }
0x1: {  	s2 =	rddreg [dreg:$0x0]  }
0x2: {  	s7 =	rddreg [dreg:$0x1]  }
0x3: {  	s0 =	rddreg [dreg:$0x2]  }
0x4: {  	s1 =	srdreg.scid;
	_ =	strace $0x8000004D;
	s4 =	simm.s32 $0x1  }
0x5: {  	s9 =	simm.s32 $0x3;
	s12 =	simm.s32 $0x0;
	s5 =	sshll.u32 s1, $0x4  }
.Ltmp0:
0x6: {  	s1 =	stileid.u32;
	s5 =	sand.u32 $0x10, s5;
	(pc) =	sbr.rel .LBB2_1-.Ltmp0, $4  }
0x7: {  	s10 =	simm.s32 $0x0;
	s3 =	sadd.s32 $0x2C2400, s7;
	s6 =	sor.u32 s1, s5  }
0x8: {  	[sflag:s4] =	ssyncpa.u1 $0x0;
	s5 =	simm.s32 $0x2;
	s6 =	sshll.u32 s6, $0x7  }
0x9: {  	s7 =	sadd.s32 $0x2D2600, s7;
	[sflag:s5] =	ssyncpa.u1 $0x0;
	s8 =	sadd.s32 $0x80, s6  }
0xa: {  	vm0 =	vmmov $0xff;
	vm1 =	vcmask $0x3F20;
	[sflag:s9] =	ssyncpa.u1 $0x0;
	s9 =	simm.s32 $0x80;
	s11 =	smov.u32 s6  }
.LBB2_9:
0xb: {  	p0 =	seq.s32 s10, $0x2  }
.Ltmp1:
0xc: {  	_ = 	snop;
	(pc) =	sbr.rel @p0 .LBB2_11-.Ltmp1, $1  }
0xd: {  	_ =	sdelay $0x3  }
.LBB2_10:
0xe: {  	s12 =	sadd.s32 $0x80, s11  }
0xf: {  	s13 =	smov.u32 s6;
	p0 =	slt.s32 s12, s8  }
0x10: {  	s13 =	smov.u32 @p0 s12  }
0x11: {  	s10 =	sadd.s32 $0x1, s10;
	s12 =	smov.u32 s11;
	s11 =	smov.u32 s13  }
.LBB2_1:
0x12: {  	p0 =	sne.s32 s10, $0x0  }
.Ltmp2:
0x13: {  	_ = 	snop;
	(pc) =	sbr.rel @!p0 .LBB2_2-.Ltmp2, $1  }
0x14: {  	_ =	sdelay $0x3  }
0x15: {  	s13 =	sand.u32 $0x1, s10  }
0x16: {  	p0 =	seq.s32 s13, $0x0  }
.Ltmp3:
0x17: {  	_ = 	snop;
	(pc) =	sbr.rel @p0 .LBB2_9-.Ltmp3, $1  }
0x18: {  	_ =	sdelay $0x3  }
0x19: {  	_ =	swait.ge [sflag:s5], $0x80  }
0x1a: {  	[sflag:s5] =	ssyncset.done $0x0  }
0x1b: {  	s13 =	simm.s32 $0x0;
	[sflag:s5] =	ssyncadd.s32 $0xFFFFFF80  }
0x1c: {  	v0 =	vld.msk [tilespmem:s13+$0x80 ss:$0x1], $0xffff;
	_ =	sdelay $0x4  }
0x1d: {  	v1 =	vshll.u32 v0, $0x5  }
0x1e: {  	vm2 =	veq.s32 v0, $0x80000000;
	v0 =	vshll.u32 v0, $0x14;
	v1 =	vand.u32 $0xFFF80, v1  }
0x1f: {  	v0 =	vand.u32 $0x300000, v0;
	v1 =	vsel vm2, $0xFFFFFF80, v1  }
0x20: {  	v0 =	vsel vm2, $0xFFF00000, v0;
	v2 =	vand.u32 $0xFFFFFC00, v1  }
0x21: {  	v1 =	vand.u32 $0x380, v1;
	v0 =	vadd.s32 v0, v2  }
0x22: {  	v0 =	vor.u32 v1, v0  }
0x23: {  	v0 =	vshrl.u32 v0, $0x3;
	_ =	sdelay $0x3  }
0x24: {  	s13 =	simm.s32 $0x4100  }
0x25: {  	[tilespmem:s13], [sflag:$0x1] =	stream.indirect_vreg.gather [hbm:s2], $0x80, v0, vm0, $0x38;
	[tilespmem:$0x8100] =	vst v63  }
0x26: {  	s14 =	simm.s32 $0x4500;
	s31 =	simm.s32 $0x10  }
0x27: {  	[tilespmem:s14], [sflag:$0x1] =	stream.indirect_vreg.gather [hbm:s2], $0x80, v0, vm1, $0x38;
	[tilespmem:$0x8100] =	vst v63  }
0x28: {  	s14 =	simm.s32 $0x80;
	v0 =	vld.msk [tilespmem:s31+$0x80 ss:$0x1], $0xffff  }
.LBB2_5:
0x29: {  	p0 =	sne.s32 s14, $0x1C0;
	_ =	sdelay $0x4  }
0x2a: {  	v1 =	vshll.u32 v0, $0x5  }
0x2b: {  	vm2 =	veq.s32 v0, $0x80000000;
	v0 =	vshll.u32 v0, $0x14;
	v1 =	vand.u32 $0xFFF80, v1  }
0x2c: {  	v0 =	vand.u32 $0x300000, v0;
	v1 =	vsel vm2, $0xFFFFFF80, v1  }
0x2d: {  	v0 =	vsel vm2, $0xFFF00000, v0;
	v2 =	vand.u32 $0xFFFFFC00, v1  }
0x2e: {  	v1 =	vand.u32 $0x380, v1;
	v0 =	vadd.s32 v0, v2  }
0x2f: {  	v0 =	vor.u32 v1, v0  }
0x30: {  	v0 =	vshrl.u32 v0, $0x3;
	_ =	sdelay $0x3  }
.Ltmp4:
0x31: {  	s13 =	sadd.s32 $0x800, s13;
	(pc) =	sbr.rel @p0 .LBB2_5-.Ltmp4, $4  }
0x32: {  	[tilespmem:s13], [sflag:$0x1] =	stream.indirect_vreg.gather [hbm:s2], $0x80, v0, vm0, $0x38;
	[tilespmem:$0x8100] =	vst v63  }
0x33: {  	s15 =	sshra.s32 s14, $0x2;
	s16 =	sadd.s32 $0x400, s13  }
0x34: {  	[tilespmem:s16], [sflag:$0x1] =	stream.indirect_vreg.gather [hbm:s2], $0x80, v0, vm1, $0x38;
	[tilespmem:$0x8100] =	vst v63  }
0x35: {  	s14 =	sadd.s32 $0x40, s14;
	v0 =	vld.msk [tilespmem:s15+$0x80 ss:$0x1], $0xffff  }
0x36: {  	_ =	sdelay $0x3  }
0x37: {  	v1 =	vshll.u32 v0, $0x5  }
0x38: {  	vm2 =	veq.s32 v0, $0x80000000;
	v63 =	vshll.u32 v0, $0x14;
	v1 =	vand.u32 $0xFFF80, v1  }
0x39: {  	v0 =	vand.u32 $0x300000, v63;
	v1 =	vsel vm2, $0xFFFFFF80, v1  }
0x3a: {  	v0 =	vsel vm2, $0xFFF00000, v0;
	v2 =	vand.u32 $0xFFFFFC00, v1  }
0x3b: {  	v1 =	vand.u32 $0x380, v1;
	v0 =	vadd.s32 v0, v2  }
0x3c: {  	v0 =	vor.u32 v1, v0  }
0x3d: {  	v0 =	vshrl.u32 v0, $0x3;
	_ =	sdelay $0x3  }
0x3e: {  	s13 =	sadd.s32 $0x800, s13  }
0x3f: {  	[tilespmem:s13], [sflag:$0x1] =	stream.indirect_vreg.gather [hbm:s2], $0x80, v0, vm0, $0x38;
	[tilespmem:$0x8100] =	vst v63  }
0x40: {  	s13 =	sadd.s32 $0x400, s13  }
0x41: {  	[tilespmem:s13], [sflag:$0x1] =	stream.indirect_vreg.gather [hbm:s2], $0x80, v0, vm1, $0x38;
	[tilespmem:$0x8100] =	vst v63  }
0x42: {  	s12 =	sshll.u32 s12, $0x4;
	s14 =	simm.s32 $0x80;
	_ =	swait.ge [sflag:s4], $0x4000  }
0x43: {  	s15 =	simm.s32 $0x4500;
	s12 =	sadd.s32 s12, s7;
	[sflag:s4] =	ssyncset.done $0x0  }
0x44: {  	s16 =	sadd.s32 $0x0, s12;
	s13 =	simm.s32 $0x4100;
	[sflag:s4] =	ssyncadd.s32 $0xFFFFC000  }
.LBB2_7:
0x45: {  	[hbm:s16] =	stream.linear.scatter [tilespmem:s13], [sflag:$0x3], $0x400, $0x38;
	[tilespmem:$0x8100] =	vst v63  }
0x46: {  	s16 =	smov.u32 s14;
	s13 =	smov.u32 s15;
	p0 =	sne.s32 s14, $0x780  }
.Ltmp5:
0x47: {  	s14 =	sadd.s32 $0x80, s14;
	(pc) =	sbr.rel @p0 .LBB2_7-.Ltmp5, $2  }
0x48: {  	_ =	sdelay $0x2  }
0x49: {  	s15 =	sadd.s32 $0x400, s15;
	s16 =	sadd.s32 s16, s12  }
.Ltmp6:
0x4a: {  	(pc) =	sbr.rel .LBB2_9-.Ltmp6, $2  }
0x4b: {  	_ =	sdelay $0x2  }
0x4c: {  	[hbm:s16] =	stream.linear.scatter [tilespmem:s13], [sflag:$0x3], $0x400, $0x38;
	[tilespmem:$0x8100] =	vst v63  }
.LBB2_2:
.Ltmp7:
0x4d: {  	(pc) =	sbr.rel .LBB2_10-.Ltmp7, $4  }
0x4e: {  	_ = 	snop  }
0x4f: {  	s12 =	sshrl.u32 s11, $0x3  }
0x50: {  	s13 =	sand.u32 $0x7, s11;
	s12 =	sadd.s32 s3, s12  }
0x51: {  	[tilespmem:s9], [sflag:$0x2] =	stream.linear.gather [hbm4b:s12+s13], $0x80, $0x38;
	[tilespmem:$0x8100] =	vst v63  }
.LBB2_11:
0x52: {  	s2 =	simm.s32 $0x3  }
0x53: {  	_ =	swait.ge [sflag:s2], $0x4000  }
0x54: {  	[sflag:s2] =	ssyncset.done $0x0  }
0x55: {  	[sflag:s2] =	ssyncadd.s32 $0xFFFFC000  }
0x56: {  	_ =	sfence.sel $0x180000  }
0x57: {  	s3 =	simm.s32 $0x2;
	[bflag:$0x0] =	sbarrier.arrive $0xFFFF  }
0x58: {  	[sflag:s3] =	ssyncpa.u1 $0x1  }
0x59: {  	s31 =	simm.s32 $0x1;
	[sflag:s2] =	ssyncpa.u1 $0x1  }
0x5a: {  	[sflag:s31] =	ssyncpa.u1 $0x1  }
0x5b: {  	p0 =	sne.s32 s1, $0x0;
	_ =	strace $0x9000004D  }
0x5c: {  	s0 =	sadd.s32 @!p0 $0x100000, s0;
	[bflag:$0x2] =	sbarrier.arrive $0xFFFF  }
0x5d: {  	[sflag:s0] =	ssyncadd.tile.s32 @!p0 $0x1;
	_ =	shalt  }
.Lfunc_end2:
_tile_overlayer_lowered:
.L_overlay_start_2:
0x5e: {  	(tag) =	ssettag $0x2  }
0x5f: {  	s0 =	rddreg [dreg:$0x0];
	s2 =	stileid.u32  }
0x60: {  	s1 =	rddreg [dreg:$0x1];
	p0 =	sne.s32 s2, $0x0  }
0x61: {  	s3 =	rddreg [dreg:$0x2];
	[bflag:$0x3] =	sbarrier.arrive $0xFFFF;
	s2 =	simm.s32 @!p0 $0x1C01  }
0x62: {  	[timem:s3], [sflag:s2] =	dma.local @!p0 [hbm:s0], s1  }
0x63: {  	s0 =	simm.s32 @!p0 $0x1  }
0x64: {  	_ =	swait.ge @!p0 [sflag:s0], s1  }
0x65: {  	s1 =	ssub.s32 @!p0 $0x0, s1;
	[sflag:s0] =	ssyncset.done @!p0 $0x0  }
0x66: {  	[sflag:s0] =	ssyncadd.s32 @!p0 s1  }
0x67: {  	[bflag:$0x3] =	sbarrier.arrive $0xFFFF  }
0x68: {  	_ =	shalt  }

// kernel: gather_offload_async_start.2
scs
__scs_entry_jumppad:
0x0: {  	(pc) =	sbr.rel $0x88, $3  }
0x1: {  	(tag) =	ssettag $0x0;
	lr =	simm.s32 $0x1  }
0x2: {  	[smem:$0x3F90] =	sst lr;
	_ =	strace $0xD0000000  }
0x3: {  	_ = 	snop  }
0x4: {  	_ = 	snop  }
0x5: {  	_ = 	snop  }
0x6: {  	_ = 	snop  }
0x7: {  	_ = 	snop  }
__scs_overlays_trampoline_lowered:
0x8: {  	[smem:$0x3F9F] =	sst s0  }
0x9: {  	[smem:$0x3FA0] =	sst s1  }
0xa: {  	[smem:$0x3FA1] =	sst s2  }
0xb: {  	[smem:$0x3FA2] =	sst s3  }
0xc: {  	[smem:$0x3FA3] =	sst s4  }
0xd: {  	[smem:$0x3FA4] =	sst s5  }
0xe: {  	[smem:$0x3FA5] =	sst s6  }
0xf: {  	[smem:$0x3FA6] =	sst s7  }
0x10: {  	[smem:$0x3FA7] =	sst s8  }
0x11: {  	[smem:$0x3FA8] =	sst s9;
	s0 =	simm.s32 @!p0 $0x0  }
0x12: {  	s1 =	sld [smem:$0x3F8E];
	s0 =	simm.s32 @p0 $0x1  }
0x13: {  	[smem:$0x3FA9] =	sst s0;
	s0 =	simm.s32 @!p1 $0x0  }
0x14: {  	s2 =	sld [smem:$0x3F8D];
	s0 =	simm.s32 @p1 $0x1  }
0x15: {  	[smem:$0x3FAA] =	sst s0;
	s0 =	simm.s32 @!p2 $0x0  }
0x16: {  	s3 =	sld [smem:$0x3FDB];
	s0 =	simm.s32 @p2 $0x1  }
0x17: {  	s4 =	simm.s32 $0x1BF5;
	[smem:$0x3FAC] =	sst s0  }
0x18: {  	s0 =	sld [smem:$0x3F8F];
	_ =	swait.ge [sflag:s4], $0x0  }
0x19: {  	s7 =	sld [smem:$0x3F90]  }
0x1a: {  	s8 =	sadd.s32 $0xFFFFE003, lr  }
0x1b: {  	s9 =	sadd.s32 $0xFFFFFEF7, lr;
	s5 =	simm.s32 $0xFFFFFFFF;
	p2 =	slt.u32 s8, $0xFFFFF086  }
0x1c: {  	p1 =	slt.u32 s9, $0xF7A;
	s5 =	simm.s32 @!p2 $0x0  }
0x1d: {  	s5 =	simm.s32 @p1 $0x1;
	p0 =	seq.s32 s7, s2  }
0x1e: {  	s7 =	smul.u32 @!p0 $0xF7A, s2;
	p2 =	seq.s32 @!p0 s5, $0x0  }
0x1f: {  	s9 =	smul.u32 $0xF7A, s1;
	s8 =	simm.s32 @!p0 $0x1BF5;
	p2 =	por !p2, p0  }
0x20: {  	[sflag:s8] =	ssyncset.s32 @!p0 $0xFFFFF086;
	s6 =	sadd.s32 @!p0 s3, s7;
	s7 =	simm.s32 @!p0 $0x108  }
0x21: {  	s3 =	sadd.s32 s3, s9;
	s6 =	sadd.s32 @!p0 $0x88, s6;
	s7 =	simm.s32 @p2 $0x1082  }
0x22: {  	[simem:s7], [sflag:s8] =	dma.local @!p0 [hbm:s6], $0xF7A  }
0x23: {  	s9 =	sor.u32 $0xD0000000, s2;
	s6 =	simm.s32 $0x108;
	_ =	swait.ge @!p0 [sflag:s8], $0x0  }
0x24: {  	s3 =	sadd.s32 $0x88, s3;
	s6 =	simm.s32 @!p1 $0x1082;
	[sflag:s4] =	ssyncset.s32 $0xFFFFF086  }
0x25: {  	[simem:s6], [sflag:s4] =	dma.local [hbm:s3], $0xF7A  }
0x26: {  	[smem:$0x3F90] =	sst s1;
	(tag) =	ssettag s2;
	_ =	strace s9  }
0x27: {  	s1 =	sld [smem:$0x3FA0]  }
0x28: {  	s2 =	sld [smem:$0x3FA1]  }
0x29: {  	s4 =	sld [smem:$0x3FA3]  }
0x2a: {  	p0 =	seq.s32 s5, $0x0;
	s5 =	sld [smem:$0x3FA4]  }
0x2b: {  	s6 =	sld [smem:$0x3FA5]  }
0x2c: {  	s7 =	sld [smem:$0x3FA6]  }
0x2d: {  	s3 =	simm.s32 $0x108;
	s8 =	sld [smem:$0x3FA7]  }
0x2e: {  	s3 =	simm.s32 @!p0 $0x1082;
	s9 =	sld [smem:$0x3FA8]  }
0x2f: {  	lr =	sadd.s32 s0, s3;
	s0 =	sld [smem:$0x3F9F]  }
0x30: {  	s3 =	sld [smem:$0x3FA2]  }
0x31: {  	[smem:$0x3FAB] =	sst s10  }
0x32: {  	s10 =	sld [smem:$0x3FA9];
	_ =	sdelay $0x3  }
0x33: {  	p0 =	seq.s32 s10, $0x1;
	s10 =	sld [smem:$0x3FAB];
	_ =	sdelay $0x3  }
0x34: {  	[smem:$0x3FAB] =	sst s10  }
0x35: {  	s10 =	sld [smem:$0x3FAA];
	_ =	sdelay $0x3  }
0x36: {  	p1 =	seq.s32 s10, $0x1;
	s10 =	sld [smem:$0x3FAB];
	_ =	sdelay $0x3  }
0x37: {  	[smem:$0x3FAB] =	sst s10  }
0x38: {  	s10 =	sld [smem:$0x3FAC]  }
0x39: {  	_ = 	snop;
	(pc) =	sbr.ind lr, $3  }
0x3a: {  	_ = 	snop  }
0x3b: {  	_ = 	snop  }
0x3c: {  	p2 =	seq.s32 s10, $0x1;
	s10 =	sld [smem:$0x3FAB]  }
0x3d: {  	_ =	shalt  }
0x3e: {  	_ =	shalt  }
0x3f: {  	_ =	shalt  }
0x40: {  	_ =	shalt  }
0x41: {  	_ =	shalt  }
0x42: {  	_ =	shalt  }
0x43: {  	_ =	shalt  }
0x44: {  	_ =	shalt  }
0x45: {  	_ =	shalt  }
0x46: {  	_ =	shalt  }
0x47: {  	_ =	shalt  }
0x48: {  	_ =	shalt  }
0x49: {  	_ =	shalt  }
0x4a: {  	_ =	shalt  }
0x4b: {  	_ =	shalt  }
0x4c: {  	_ =	shalt  }
0x4d: {  	_ =	shalt  }
0x4e: {  	_ =	shalt  }
0x4f: {  	_ =	shalt  }
0x50: {  	_ =	shalt  }
0x51: {  	_ =	shalt  }
0x52: {  	_ =	shalt  }
0x53: {  	_ =	shalt  }
0x54: {  	_ =	shalt  }
0x55: {  	_ =	shalt  }
0x56: {  	_ =	shalt  }
0x57: {  	_ =	shalt  }
0x58: {  	_ =	shalt  }
0x59: {  	_ =	shalt  }
0x5a: {  	_ =	shalt  }
0x5b: {  	_ =	shalt  }
0x5c: {  	_ =	shalt  }
0x5d: {  	_ =	shalt  }
0x5e: {  	_ =	shalt  }
0x5f: {  	_ =	shalt  }
0x60: {  	_ =	shalt  }
0x61: {  	_ =	shalt  }
0x62: {  	_ =	shalt  }
0x63: {  	_ =	shalt  }
0x64: {  	_ =	shalt  }
0x65: {  	_ =	shalt  }
0x66: {  	_ =	shalt  }
0x67: {  	_ =	shalt  }
0x68: {  	_ =	shalt  }
0x69: {  	_ =	shalt  }
0x6a: {  	_ =	shalt  }
0x6b: {  	_ =	shalt  }
0x6c: {  	_ =	shalt  }
0x6d: {  	_ =	shalt  }
0x6e: {  	_ =	shalt  }
0x6f: {  	_ =	shalt  }
0x70: {  	_ =	shalt  }
0x71: {  	_ =	shalt  }
0x72: {  	_ =	shalt  }
0x73: {  	_ =	shalt  }
0x74: {  	_ =	shalt  }
0x75: {  	_ =	shalt  }
0x76: {  	_ =	shalt  }
0x77: {  	_ =	shalt  }
0x78: {  	_ =	shalt  }
0x79: {  	_ =	shalt  }
0x7a: {  	_ =	shalt  }
0x7b: {  	_ =	shalt  }
0x7c: {  	_ =	shalt  }
0x7d: {  	_ =	shalt  }
0x7e: {  	_ =	shalt  }
0x7f: {  	_ =	shalt  }
0x80: {  	_ =	shalt  }
0x81: {  	_ =	shalt  }
0x82: {  	_ =	shalt  }
0x83: {  	_ =	shalt  }
0x84: {  	_ =	shalt  }
0x85: {  	_ =	shalt  }
0x86: {  	_ =	shalt  }
0x87: {  	_ =	shalt  }
.Lfunc_end0:
.L_simem_size_0:
called_computation.2_lowered:
.L_overlay_start_0:
0x88: {  	s2 =	sld [smem:$0x3FD9]  }
0x89: {  	s3 =	sld [smem:$0x3FFE];
	_ =	sdelay $0x1  }
0x8a: {  	s1 =	srdreg.scid  }
0x8b: {  	s0 =	sand.u32 $0x1, s1  }
0x8c: {  	s15 =	sshll.u32 s0, $0xA;
	s2 =	sadd.s32 s3, s2  }
0x8d: {  	s2 =	sadd.s32 s2, s15  }
0x8e: {  	[smem:$0x3FB7] =	sst s2  }
0x8f: {  	_ = 	snop  }
0x90: {  	s16 =	sld [smem:$0x3FD0];
	_ =	sdelay $0x2  }
0x91: {  	s4 =	simm.s32 $0xC;
	s5 =	simm.s32 $0x10;
	s2 =	sld [smem:$0x3FC0]  }
0x92: {  	[smem:s5], [sflag:s4] =	dma.local [hbm:s16], $0x1  }
0x93: {  	_ =	swait.eq [sflag:s4], $0x1  }
0x94: {  	[sflag:s4] =	ssyncset.done $0x0  }
0x95: {  	[sflag:s4] =	ssyncadd.s32 $0xFFFFFFFF  }
0x96: {  	s17 =	sld [smem:$0x10];
	(tm) =	ssettm $0x1  }
0x97: {  	s18 =	sld [smem:$0x3FFB];
	_ =	sdelay $0x3  }
0x98: {  	_ =	strace s18  }
0x99: {  	s3 =	sld [smem:$0x3FFC];
	_ =	sdelay $0x3  }
0x9a: {  	_ =	strace s3  }
0x9b: {  	s3 =	sld [smem:$0x3FFD];
	_ =	sdelay $0x3  }
0x9c: {  	_ =	strace s3  }
0x9d: {  	_ =	strace $0x8FFFFFFF  }
0x9e: {  	s19 =	sld [smem:$0x3FDB];
	_ =	sdelay $0x1  }
0x9f: {  	s20 =	simm.s32 $_scs_section_size  }
0xa0: {  	s6 =	simm.s32 $_size__tile_overlayer_lowered;
	s7 =	simm.s32 $_tile_overlayer_lowered  }
0xa1: {  	s8 =	simm.s32 $0x1BFF;
	s21 =	sshll.u32 s7, $0x1;
	s5 =	sadd.s32 s20, s19  }
0xa2: {  	s22 =	simm.s32 $0x0;
	s6 =	sshll.u32 s6, $0x1;
	s7 =	sadd.s32 s21, s5  }
0xa3: {  	[timem:s22], [sflag:s8] =	dma.local [hbm:s7], s6  }
0xa4: {  	_ =	swait.ge [sflag:s8], s6  }
0xa5: {  	s6 =	ssub.s32 $0x0, s6;
	[sflag:s8] =	ssyncset.done $0x0  }
0xa6: {  	[sflag:s8] =	ssyncadd.s32 s6;
	_ =	sdelay $0x1  }
0xa7: {  	s23 =	simm.s32 $0x1B8B  }
0xa8: {  	_ =	swait.ge [sflag:s23], $0x1  }
0xa9: {  	[sflag:s23] =	ssyncset.done $0x0  }
0xaa: {  	[sflag:s23] =	ssyncadd.s32 $0xFFFFFFFF  }
0xab: {  	s6 =	sld [smem:$0x0]  }
0xac: {  	s7 =	sand.u32 $0xFFFFFFFE, s1  }
0xad: {  	p0 =	sne.s32 s1, s7  }
0xae: {  	s7 =	sshll.u32 @p0 s7, $0xE  }
0xaf: {  	s7 =	sadd.s32 @p0 $0x11B8D, s7;
	s8 =	sshll.u32 @p0 s6, $0x11  }
0xb0: {  	s7 =	sor.u32 @p0 s8, s7  }
0xb1: {  	[sflag:s7] =	ssyncadd.remote.s32 @p0 $0x1;
	_ =	sdelay $0x1  }
0xb2: {  	s7 =	simm.s32 @p0 $0x1B8D  }
0xb3: {  	_ =	swait.eq @p0 [sflag:s7], $0x1  }
0xb4: {  	[sflag:s7] =	ssyncadd.s32 @p0 $0xFFFFFFFF  }
0xb5: {  	s8 =	sshll.u32 @!p0 s1, $0xE  }
0xb6: {  	s8 =	sor.u32 @!p0 $0x4000, s8;
	s7 =	simm.s32 @!p0 $0x1B8D  }
0xb7: {  	s6 =	sshll.u32 @!p0 s6, $0x11;
	s8 =	sadd.s32 @!p0 $0x11B8D, s8;
	_ =	swait.eq @!p0 [sflag:s7], $0x1  }
0xb8: {  	s6 =	sor.u32 @!p0 s6, s8;
	[sflag:s7] =	ssyncadd.s32 @!p0 $0xFFFFFFFF  }
0xb9: {  	s25 =	simm.s32 $0x1B8E;
	s24 =	sld [smem:$0x3FFE];
	[sflag:s6] =	ssyncadd.remote.s32 @!p0 $0x1  }
0xba: {  	s26 =	simm.s32 $execute0_lowered;
	[smem:$0x3FD2] =	sst s25  }
0xbb: {  	s7 =	sshll.u32 s26, $0x1;
	_ =	strace $0x8000004F;
	[dreg:$0x1] =	wrdreg $0xFFFFFFFF  }
0xbc: {  	s28 =	simm.s32 $_size_execute0_lowered;
	s5 =	sadd.s32 s5, s7;
	[dreg:$0x0] =	wrdreg $0x0  }
0xbd: {  	s7 =	sshll.u32 s28, $0x1;
	[dreg:$0x2] =	wrdreg s5  }
0xbe: {  	[dreg:$0x3] =	wrdreg s7  }
0xbf: {  	[dreg:$0x4] =	wrdreg $0xC0  }
0xc0: {  	_ =	task [dreg:s22], $0x5FFFF  }
0xc1: {  	[dreg:$0x1] =	wrdreg $0xFFFFFFFF  }
0xc2: {  	[dreg:$0x0] =	wrdreg $0x60  }
0xc3: {  	[dreg:$0x2] =	wrdreg s2  }
0xc4: {  	[dreg:$0x3] =	wrdreg s24  }
0xc5: {  	[dreg:$0x4] =	wrdreg s17  }
0xc6: {  	[dreg:$0x5] =	wrdreg $0xB  }
0xc7: {  	_ =	task.clear_ibuf [dreg:s22], $0x6FFFF;
	_ =	strace $0x9000004F  }
0xc8: {  	s29 =	simm.s32 $0xB;
	_ =	strace $0x80000051  }
0xc9: {  	_ =	swait.ge [sflag:s29], $0x1  }
0xca: {  	[sflag:s29] =	ssyncadd.s32 $0xFFFFFFFF  }
0xcb: {  	_ =	strace $0x90000051  }
0xcc: {  	_ =	sfence  }
0xcd: {  	s30 =	sld [smem:$0x0];
	_ =	sdelay $0x2  }
0xce: {  	s31 =	sshll.u32 s1, $0xD;
	s1 =	sshrl.u32 s1, $0x2  }
0xcf: {  	s4 =	sand.u32 $0x4000, s31;
	s1 =	sadd.s32 s1, s30  }
0xd0: {  	s0 =	sor.u32 s4, s0;
	s1 =	sshll.u32 s1, $0x11  }
0xd1: {  	s0 =	sor.u32 s1, s0  }
0xd2: {  	s0 =	sadd.s32 $0x8F2B, s0  }
0xd3: {  	[sflag:s0] =	ssyncadd.remote.s32 $0x1  }
0xd4: {  	_ =	sfence.sel $0xFFFF  }
0xd5: {  	[dreg:$0x0] =	wrdreg $0xFFFFFFFF;
	(pc) =	sbr.abs _section_cstart, $3  }
0xd6: {  	[dreg:$0x1] =	wrdreg $0xFFFFFFFF  }
0xd7: {  	_ =	task.clear_ibuf [dreg:s22], $0x2FFFF;
	_ =	strace $0x9FFFFFFF  }
0xd8: {  	(tm) =	ssettm $0x7FFFFFFF  }
0xd9: {  	_ =	shalt  }
tec
execute0_lowered:
.L_overlay_start_1:
0x0: {  	(tag) =	ssettag $0x1  }
0x1: {  	s2 =	rddreg [dreg:$0x0]  }
0x2: {  	s7 =	rddreg [dreg:$0x1]  }
0x3: {  	s3 =	rddreg [dreg:$0x2]  }
0x4: {  	s0 =	rddreg [dreg:$0x3];
	s1 =	srdreg.scid;
	_ =	strace $0x80000050  }
0x5: {  	s4 =	simm.s32 $0x1;
	s9 =	simm.s32 $0x3;
	s5 =	sshll.u32 s1, $0x4  }
.Ltmp0:
0x6: {  	s1 =	stileid.u32;
	s5 =	sand.u32 $0x10, s5;
	(pc) =	sbr.rel .LBB2_1-.Ltmp0, $4  }
0x7: {  	s12 =	simm.s32 $0x0;
	s10 =	simm.s32 $0x0;
	s6 =	sor.u32 s1, s5  }
0x8: {  	[sflag:s4] =	ssyncpa.u1 $0x0;
	s5 =	simm.s32 $0x2;
	s6 =	sshll.u32 s6, $0x7  }
0x9: {  	s7 =	sadd.s32 $0x2C2000, s7;
	[sflag:s5] =	ssyncpa.u1 $0x0;
	s8 =	sadd.s32 $0x80, s6  }
0xa: {  	vm0 =	vmmov $0xff;
	vm1 =	vcmask $0x3F20;
	[sflag:s9] =	ssyncpa.u1 $0x0;
	s9 =	simm.s32 $0x80;
	s11 =	smov.u32 s6  }
.LBB2_9:
0xb: {  	p0 =	seq.s32 s10, $0x2  }
.Ltmp1:
0xc: {  	_ = 	snop;
	(pc) =	sbr.rel @p0 .LBB2_11-.Ltmp1, $1  }
0xd: {  	_ =	sdelay $0x3  }
.LBB2_10:
0xe: {  	s12 =	sadd.s32 $0x80, s11  }
0xf: {  	s13 =	smov.u32 s6;
	p0 =	slt.s32 s12, s8  }
0x10: {  	s13 =	smov.u32 @p0 s12  }
0x11: {  	s10 =	sadd.s32 $0x1, s10;
	s12 =	smov.u32 s11;
	s11 =	smov.u32 s13  }
.LBB2_1:
0x12: {  	p0 =	sne.s32 s10, $0x0  }
.Ltmp2:
0x13: {  	_ = 	snop;
	(pc) =	sbr.rel @!p0 .LBB2_2-.Ltmp2, $1  }
0x14: {  	_ =	sdelay $0x3  }
0x15: {  	s13 =	sand.u32 $0x1, s10  }
0x16: {  	p0 =	seq.s32 s13, $0x0  }
.Ltmp3:
0x17: {  	_ = 	snop;
	(pc) =	sbr.rel @p0 .LBB2_9-.Ltmp3, $1  }
0x18: {  	_ =	sdelay $0x3  }
0x19: {  	_ =	swait.ge [sflag:s5], $0x80  }
0x1a: {  	[sflag:s5] =	ssyncset.done $0x0  }
0x1b: {  	s13 =	simm.s32 $0x0;
	[sflag:s5] =	ssyncadd.s32 $0xFFFFFF80  }
0x1c: {  	v0 =	vld.msk [tilespmem:s13+$0x80 ss:$0x1], $0xffff;
	_ =	sdelay $0x4  }
0x1d: {  	v1 =	vshll.u32 v0, $0x5  }
0x1e: {  	vm2 =	veq.s32 v0, $0x80000000;
	v0 =	vshll.u32 v0, $0x13;
	v1 =	vand.u32 $0x7FF80, v1  }
0x1f: {  	v0 =	vand.u32 $0x180000, v0;
	v1 =	vsel vm2, $0xFFFFFF80, v1  }
0x20: {  	v0 =	vsel vm2, $0xFFF80000, v0;
	v2 =	vand.u32 $0xFFFFFC00, v1  }
0x21: {  	v1 =	vand.u32 $0x380, v1;
	v0 =	vadd.s32 v0, v2  }
0x22: {  	v0 =	vor.u32 v1, v0  }
0x23: {  	v0 =	vshrl.u32 v0, $0x3;
	_ =	sdelay $0x3  }
0x24: {  	s13 =	simm.s32 $0x4100  }
0x25: {  	[tilespmem:s13], [sflag:$0x1] =	stream.indirect_vreg.gather [hbm:s2], $0x80, v0, vm0, $0x38;
	[tilespmem:$0x8100] =	vst v63  }
0x26: {  	s14 =	simm.s32 $0x4500;
	s31 =	simm.s32 $0x10  }
0x27: {  	[tilespmem:s14], [sflag:$0x1] =	stream.indirect_vreg.gather [hbm:s2], $0x80, v0, vm1, $0x38;
	[tilespmem:$0x8100] =	vst v63  }
0x28: {  	s14 =	simm.s32 $0x80;
	v0 =	vld.msk [tilespmem:s31+$0x80 ss:$0x1], $0xffff  }
.LBB2_5:
0x29: {  	p0 =	sne.s32 s14, $0x1C0;
	_ =	sdelay $0x4  }
0x2a: {  	v1 =	vshll.u32 v0, $0x5  }
0x2b: {  	vm2 =	veq.s32 v0, $0x80000000;
	v0 =	vshll.u32 v0, $0x13;
	v1 =	vand.u32 $0x7FF80, v1  }
0x2c: {  	v0 =	vand.u32 $0x180000, v0;
	v1 =	vsel vm2, $0xFFFFFF80, v1  }
0x2d: {  	v0 =	vsel vm2, $0xFFF80000, v0;
	v2 =	vand.u32 $0xFFFFFC00, v1  }
0x2e: {  	v1 =	vand.u32 $0x380, v1;
	v0 =	vadd.s32 v0, v2  }
0x2f: {  	v0 =	vor.u32 v1, v0  }
0x30: {  	v0 =	vshrl.u32 v0, $0x3;
	_ =	sdelay $0x3  }
.Ltmp4:
0x31: {  	s13 =	sadd.s32 $0x800, s13;
	(pc) =	sbr.rel @p0 .LBB2_5-.Ltmp4, $4  }
0x32: {  	[tilespmem:s13], [sflag:$0x1] =	stream.indirect_vreg.gather [hbm:s2], $0x80, v0, vm0, $0x38;
	[tilespmem:$0x8100] =	vst v63  }
0x33: {  	s15 =	sshra.s32 s14, $0x2;
	s16 =	sadd.s32 $0x400, s13  }
0x34: {  	[tilespmem:s16], [sflag:$0x1] =	stream.indirect_vreg.gather [hbm:s2], $0x80, v0, vm1, $0x38;
	[tilespmem:$0x8100] =	vst v63  }
0x35: {  	s14 =	sadd.s32 $0x40, s14;
	v0 =	vld.msk [tilespmem:s15+$0x80 ss:$0x1], $0xffff  }
0x36: {  	_ =	sdelay $0x3  }
0x37: {  	v1 =	vshll.u32 v0, $0x5  }
0x38: {  	vm2 =	veq.s32 v0, $0x80000000;
	v63 =	vshll.u32 v0, $0x13;
	v1 =	vand.u32 $0x7FF80, v1  }
0x39: {  	v0 =	vand.u32 $0x180000, v63;
	v1 =	vsel vm2, $0xFFFFFF80, v1  }
0x3a: {  	v0 =	vsel vm2, $0xFFF80000, v0;
	v2 =	vand.u32 $0xFFFFFC00, v1  }
0x3b: {  	v1 =	vand.u32 $0x380, v1;
	v0 =	vadd.s32 v0, v2  }
0x3c: {  	v0 =	vor.u32 v1, v0  }
0x3d: {  	v0 =	vshrl.u32 v0, $0x3;
	_ =	sdelay $0x3  }
0x3e: {  	s13 =	sadd.s32 $0x800, s13  }
0x3f: {  	[tilespmem:s13], [sflag:$0x1] =	stream.indirect_vreg.gather [hbm:s2], $0x80, v0, vm0, $0x38;
	[tilespmem:$0x8100] =	vst v63  }
0x40: {  	s13 =	sadd.s32 $0x400, s13  }
0x41: {  	[tilespmem:s13], [sflag:$0x1] =	stream.indirect_vreg.gather [hbm:s2], $0x80, v0, vm1, $0x38;
	[tilespmem:$0x8100] =	vst v63  }
0x42: {  	s12 =	sshll.u32 s12, $0x4;
	s14 =	simm.s32 $0x80;
	_ =	swait.ge [sflag:s4], $0x4000  }
0x43: {  	s15 =	simm.s32 $0x4500;
	s12 =	sadd.s32 s12, s3;
	[sflag:s4] =	ssyncset.done $0x0  }
0x44: {  	s16 =	sadd.s32 $0x0, s12;
	s13 =	simm.s32 $0x4100;
	[sflag:s4] =	ssyncadd.s32 $0xFFFFC000  }
.LBB2_7:
0x45: {  	[hbm:s16] =	stream.linear.scatter [tilespmem:s13], [sflag:$0x3], $0x400, $0x38;
	[tilespmem:$0x8100] =	vst v63  }
0x46: {  	s16 =	smov.u32 s14;
	s13 =	smov.u32 s15;
	p0 =	sne.s32 s14, $0x780  }
.Ltmp5:
0x47: {  	s14 =	sadd.s32 $0x80, s14;
	(pc) =	sbr.rel @p0 .LBB2_7-.Ltmp5, $2  }
0x48: {  	_ =	sdelay $0x2  }
0x49: {  	s15 =	sadd.s32 $0x400, s15;
	s16 =	sadd.s32 s16, s12  }
.Ltmp6:
0x4a: {  	(pc) =	sbr.rel .LBB2_9-.Ltmp6, $2  }
0x4b: {  	_ =	sdelay $0x2  }
0x4c: {  	[hbm:s16] =	stream.linear.scatter [tilespmem:s13], [sflag:$0x3], $0x400, $0x38;
	[tilespmem:$0x8100] =	vst v63  }
.LBB2_2:
.Ltmp7:
0x4d: {  	(pc) =	sbr.rel .LBB2_10-.Ltmp7, $4  }
0x4e: {  	_ = 	snop  }
0x4f: {  	s12 =	sshrl.u32 s11, $0x3  }
0x50: {  	s13 =	sand.u32 $0x7, s11;
	s12 =	sadd.s32 s7, s12  }
0x51: {  	[tilespmem:s9], [sflag:$0x2] =	stream.linear.gather [hbm4b:s12+s13], $0x80, $0x38;
	[tilespmem:$0x8100] =	vst v63  }
.LBB2_11:
0x52: {  	s2 =	simm.s32 $0x3  }
0x53: {  	_ =	swait.ge [sflag:s2], $0x4000  }
0x54: {  	[sflag:s2] =	ssyncset.done $0x0  }
0x55: {  	[sflag:s2] =	ssyncadd.s32 $0xFFFFC000  }
0x56: {  	_ =	sfence.sel $0x180000  }
0x57: {  	s3 =	simm.s32 $0x2;
	[bflag:$0x0] =	sbarrier.arrive $0xFFFF  }
0x58: {  	[sflag:s3] =	ssyncpa.u1 $0x1  }
0x59: {  	s31 =	simm.s32 $0x1;
	[sflag:s2] =	ssyncpa.u1 $0x1  }
0x5a: {  	[sflag:s31] =	ssyncpa.u1 $0x1  }
0x5b: {  	p0 =	sne.s32 s1, $0x0;
	_ =	strace $0x90000050  }
0x5c: {  	s0 =	sadd.s32 @!p0 $0x100000, s0;
	[bflag:$0x2] =	sbarrier.arrive $0xFFFF  }
0x5d: {  	[sflag:s0] =	ssyncadd.tile.s32 @!p0 $0x1;
	_ =	shalt  }
.Lfunc_end2:
_tile_overlayer_lowered:
.L_overlay_start_2:
0x5e: {  	(tag) =	ssettag $0x2  }
0x5f: {  	s0 =	rddreg [dreg:$0x0];
	s2 =	stileid.u32  }
0x60: {  	s1 =	rddreg [dreg:$0x1];
	p0 =	sne.s32 s2, $0x0  }
0x61: {  	s3 =	rddreg [dreg:$0x2];
	[bflag:$0x3] =	sbarrier.arrive $0xFFFF;
	s2 =	simm.s32 @!p0 $0x1C01  }
0x62: {  	[timem:s3], [sflag:s2] =	dma.local @!p0 [hbm:s0], s1  }
0x63: {  	s0 =	simm.s32 @!p0 $0x1  }
0x64: {  	_ =	swait.ge @!p0 [sflag:s0], s1  }
0x65: {  	s1 =	ssub.s32 @!p0 $0x0, s1;
	[sflag:s0] =	ssyncset.done @!p0 $0x0  }
0x66: {  	[sflag:s0] =	ssyncadd.s32 @!p0 s1  }
0x67: {  	[bflag:$0x3] =	sbarrier.arrive $0xFFFF  }
0x68: {  	_ =	shalt  }

// kernel: gather_offload_async_start.3
scs
__scs_entry_jumppad:
0x0: {  	(pc) =	sbr.rel $0x88, $3  }
0x1: {  	(tag) =	ssettag $0x0;
	lr =	simm.s32 $0x1  }
0x2: {  	[smem:$0x3F90] =	sst lr;
	_ =	strace $0xD0000000  }
0x3: {  	_ = 	snop  }
0x4: {  	_ = 	snop  }
0x5: {  	_ = 	snop  }
0x6: {  	_ = 	snop  }
0x7: {  	_ = 	snop  }
__scs_overlays_trampoline_lowered:
0x8: {  	[smem:$0x3F9F] =	sst s0  }
0x9: {  	[smem:$0x3FA0] =	sst s1  }
0xa: {  	[smem:$0x3FA1] =	sst s2  }
0xb: {  	[smem:$0x3FA2] =	sst s3  }
0xc: {  	[smem:$0x3FA3] =	sst s4  }
0xd: {  	[smem:$0x3FA4] =	sst s5  }
0xe: {  	[smem:$0x3FA5] =	sst s6  }
0xf: {  	[smem:$0x3FA6] =	sst s7  }
0x10: {  	[smem:$0x3FA7] =	sst s8  }
0x11: {  	[smem:$0x3FA8] =	sst s9;
	s0 =	simm.s32 @!p0 $0x0  }
0x12: {  	s1 =	sld [smem:$0x3F8E];
	s0 =	simm.s32 @p0 $0x1  }
0x13: {  	[smem:$0x3FA9] =	sst s0;
	s0 =	simm.s32 @!p1 $0x0  }
0x14: {  	s2 =	sld [smem:$0x3F8D];
	s0 =	simm.s32 @p1 $0x1  }
0x15: {  	[smem:$0x3FAA] =	sst s0;
	s0 =	simm.s32 @!p2 $0x0  }
0x16: {  	s3 =	sld [smem:$0x3FDB];
	s0 =	simm.s32 @p2 $0x1  }
0x17: {  	s4 =	simm.s32 $0x1BF5;
	[smem:$0x3FAC] =	sst s0  }
0x18: {  	s0 =	sld [smem:$0x3F8F];
	_ =	swait.ge [sflag:s4], $0x0  }
0x19: {  	s7 =	sld [smem:$0x3F90]  }
0x1a: {  	s8 =	sadd.s32 $0xFFFFE003, lr  }
0x1b: {  	s9 =	sadd.s32 $0xFFFFFEF7, lr;
	s5 =	simm.s32 $0xFFFFFFFF;
	p2 =	slt.u32 s8, $0xFFFFF086  }
0x1c: {  	p1 =	slt.u32 s9, $0xF7A;
	s5 =	simm.s32 @!p2 $0x0  }
0x1d: {  	s5 =	simm.s32 @p1 $0x1;
	p0 =	seq.s32 s7, s2  }
0x1e: {  	s7 =	smul.u32 @!p0 $0xF7A, s2;
	p2 =	seq.s32 @!p0 s5, $0x0  }
0x1f: {  	s9 =	smul.u32 $0xF7A, s1;
	s8 =	simm.s32 @!p0 $0x1BF5;
	p2 =	por !p2, p0  }
0x20: {  	[sflag:s8] =	ssyncset.s32 @!p0 $0xFFFFF086;
	s6 =	sadd.s32 @!p0 s3, s7;
	s7 =	simm.s32 @!p0 $0x108  }
0x21: {  	s3 =	sadd.s32 s3, s9;
	s6 =	sadd.s32 @!p0 $0x88, s6;
	s7 =	simm.s32 @p2 $0x1082  }
0x22: {  	[simem:s7], [sflag:s8] =	dma.local @!p0 [hbm:s6], $0xF7A  }
0x23: {  	s9 =	sor.u32 $0xD0000000, s2;
	s6 =	simm.s32 $0x108;
	_ =	swait.ge @!p0 [sflag:s8], $0x0  }
0x24: {  	s3 =	sadd.s32 $0x88, s3;
	s6 =	simm.s32 @!p1 $0x1082;
	[sflag:s4] =	ssyncset.s32 $0xFFFFF086  }
0x25: {  	[simem:s6], [sflag:s4] =	dma.local [hbm:s3], $0xF7A  }
0x26: {  	[smem:$0x3F90] =	sst s1;
	(tag) =	ssettag s2;
	_ =	strace s9  }
0x27: {  	s1 =	sld [smem:$0x3FA0]  }
0x28: {  	s2 =	sld [smem:$0x3FA1]  }
0x29: {  	s4 =	sld [smem:$0x3FA3]  }
0x2a: {  	p0 =	seq.s32 s5, $0x0;
	s5 =	sld [smem:$0x3FA4]  }
0x2b: {  	s6 =	sld [smem:$0x3FA5]  }
0x2c: {  	s7 =	sld [smem:$0x3FA6]  }
0x2d: {  	s3 =	simm.s32 $0x108;
	s8 =	sld [smem:$0x3FA7]  }
0x2e: {  	s3 =	simm.s32 @!p0 $0x1082;
	s9 =	sld [smem:$0x3FA8]  }
0x2f: {  	lr =	sadd.s32 s0, s3;
	s0 =	sld [smem:$0x3F9F]  }
0x30: {  	s3 =	sld [smem:$0x3FA2]  }
0x31: {  	[smem:$0x3FAB] =	sst s10  }
0x32: {  	s10 =	sld [smem:$0x3FA9];
	_ =	sdelay $0x3  }
0x33: {  	p0 =	seq.s32 s10, $0x1;
	s10 =	sld [smem:$0x3FAB];
	_ =	sdelay $0x3  }
0x34: {  	[smem:$0x3FAB] =	sst s10  }
0x35: {  	s10 =	sld [smem:$0x3FAA];
	_ =	sdelay $0x3  }
0x36: {  	p1 =	seq.s32 s10, $0x1;
	s10 =	sld [smem:$0x3FAB];
	_ =	sdelay $0x3  }
0x37: {  	[smem:$0x3FAB] =	sst s10  }
0x38: {  	s10 =	sld [smem:$0x3FAC]  }
0x39: {  	_ = 	snop;
	(pc) =	sbr.ind lr, $3  }
0x3a: {  	_ = 	snop  }
0x3b: {  	_ = 	snop  }
0x3c: {  	p2 =	seq.s32 s10, $0x1;
	s10 =	sld [smem:$0x3FAB]  }
0x3d: {  	_ =	shalt  }
0x3e: {  	_ =	shalt  }
0x3f: {  	_ =	shalt  }
0x40: {  	_ =	shalt  }
0x41: {  	_ =	shalt  }
0x42: {  	_ =	shalt  }
0x43: {  	_ =	shalt  }
0x44: {  	_ =	shalt  }
0x45: {  	_ =	shalt  }
0x46: {  	_ =	shalt  }
0x47: {  	_ =	shalt  }
0x48: {  	_ =	shalt  }
0x49: {  	_ =	shalt  }
0x4a: {  	_ =	shalt  }
0x4b: {  	_ =	shalt  }
0x4c: {  	_ =	shalt  }
0x4d: {  	_ =	shalt  }
0x4e: {  	_ =	shalt  }
0x4f: {  	_ =	shalt  }
0x50: {  	_ =	shalt  }
0x51: {  	_ =	shalt  }
0x52: {  	_ =	shalt  }
0x53: {  	_ =	shalt  }
0x54: {  	_ =	shalt  }
0x55: {  	_ =	shalt  }
0x56: {  	_ =	shalt  }
0x57: {  	_ =	shalt  }
0x58: {  	_ =	shalt  }
0x59: {  	_ =	shalt  }
0x5a: {  	_ =	shalt  }
0x5b: {  	_ =	shalt  }
0x5c: {  	_ =	shalt  }
0x5d: {  	_ =	shalt  }
0x5e: {  	_ =	shalt  }
0x5f: {  	_ =	shalt  }
0x60: {  	_ =	shalt  }
0x61: {  	_ =	shalt  }
0x62: {  	_ =	shalt  }
0x63: {  	_ =	shalt  }
0x64: {  	_ =	shalt  }
0x65: {  	_ =	shalt  }
0x66: {  	_ =	shalt  }
0x67: {  	_ =	shalt  }
0x68: {  	_ =	shalt  }
0x69: {  	_ =	shalt  }
0x6a: {  	_ =	shalt  }
0x6b: {  	_ =	shalt  }
0x6c: {  	_ =	shalt  }
0x6d: {  	_ =	shalt  }
0x6e: {  	_ =	shalt  }
0x6f: {  	_ =	shalt  }
0x70: {  	_ =	shalt  }
0x71: {  	_ =	shalt  }
0x72: {  	_ =	shalt  }
0x73: {  	_ =	shalt  }
0x74: {  	_ =	shalt  }
0x75: {  	_ =	shalt  }
0x76: {  	_ =	shalt  }
0x77: {  	_ =	shalt  }
0x78: {  	_ =	shalt  }
0x79: {  	_ =	shalt  }
0x7a: {  	_ =	shalt  }
0x7b: {  	_ =	shalt  }
0x7c: {  	_ =	shalt  }
0x7d: {  	_ =	shalt  }
0x7e: {  	_ =	shalt  }
0x7f: {  	_ =	shalt  }
0x80: {  	_ =	shalt  }
0x81: {  	_ =	shalt  }
0x82: {  	_ =	shalt  }
0x83: {  	_ =	shalt  }
0x84: {  	_ =	shalt  }
0x85: {  	_ =	shalt  }
0x86: {  	_ =	shalt  }
0x87: {  	_ =	shalt  }
.Lfunc_end0:
.L_simem_size_0:
called_computation.3_lowered:
.L_overlay_start_0:
0x88: {  	s2 =	sld [smem:$0x3FD9]  }
0x89: {  	s3 =	sld [smem:$0x3FFE];
	_ =	sdelay $0x1  }
0x8a: {  	s1 =	srdreg.scid  }
0x8b: {  	s0 =	sand.u32 $0x1, s1  }
0x8c: {  	s14 =	sshll.u32 s0, $0xA;
	s2 =	sadd.s32 s3, s2  }
0x8d: {  	s2 =	sadd.s32 s2, s14  }
0x8e: {  	[smem:$0x3FB7] =	sst s2  }
0x8f: {  	_ = 	snop  }
0x90: {  	s2 =	sld [smem:$0x3FD0];
	_ =	sdelay $0x2  }
0x91: {  	s15 =	simm.s32 $0xC;
	s4 =	simm.s32 $0x10  }
0x92: {  	[smem:s4], [sflag:s15] =	dma.local [hbm:s2], $0x1  }
0x93: {  	_ =	swait.eq [sflag:s15], $0x1  }
0x94: {  	[sflag:s15] =	ssyncset.done $0x0  }
0x95: {  	s16 =	sld [smem:$0x10];
	[sflag:s15] =	ssyncadd.s32 $0xFFFFFFFF  }
0x96: {  	s17 =	sld [smem:$0x12];
	(tm) =	ssettm $0x1  }
0x97: {  	s18 =	sld [smem:$0x3FFB];
	_ =	sdelay $0x3  }
0x98: {  	_ =	strace s18  }
0x99: {  	s4 =	sld [smem:$0x3FFC];
	_ =	sdelay $0x3  }
0x9a: {  	_ =	strace s4  }
0x9b: {  	s4 =	sld [smem:$0x3FFD];
	_ =	sdelay $0x3  }
0x9c: {  	_ =	strace s4  }
0x9d: {  	_ =	strace $0x8FFFFFFF  }
0x9e: {  	s19 =	sld [smem:$0x3FDB];
	_ =	sdelay $0x1  }
0x9f: {  	s5 =	simm.s32 $_scs_section_size  }
0xa0: {  	s6 =	simm.s32 $_size__tile_overlayer_lowered;
	s7 =	simm.s32 $_tile_overlayer_lowered  }
0xa1: {  	s22 =	simm.s32 $0x1BFF;
	s21 =	sshll.u32 s7, $0x1;
	s4 =	sadd.s32 s5, s19  }
0xa2: {  	s8 =	simm.s32 $0x0;
	s20 =	sshll.u32 s6, $0x1;
	s6 =	sadd.s32 s21, s4  }
0xa3: {  	[timem:s8], [sflag:s22] =	dma.local [hbm:s6], s20  }
0xa4: {  	_ =	swait.ge [sflag:s22], s20  }
0xa5: {  	s5 =	ssub.s32 $0x0, s20;
	[sflag:s22] =	ssyncset.done $0x0  }
0xa6: {  	[sflag:s22] =	ssyncadd.s32 s5;
	_ =	sdelay $0x1  }
0xa7: {  	s23 =	simm.s32 $0x1B8B  }
0xa8: {  	_ =	swait.ge [sflag:s23], $0x1  }
0xa9: {  	[sflag:s23] =	ssyncset.done $0x0  }
0xaa: {  	s25 =	simm.s32 $0x1B8E;
	s24 =	sld [smem:$0x3FFE];
	[sflag:s23] =	ssyncadd.s32 $0xFFFFFFFF  }
0xab: {  	s26 =	simm.s32 $execute0_lowered;
	[smem:$0x3FD2] =	sst s25  }
0xac: {  	s6 =	sshll.u32 s26, $0x1;
	_ =	strace $0x80000046;
	[dreg:$0x1] =	wrdreg $0xFFFFFFFF  }
0xad: {  	s28 =	simm.s32 $_size_execute0_lowered;
	s4 =	sadd.s32 s4, s6;
	[dreg:$0x0] =	wrdreg $0x0  }
0xae: {  	s6 =	sshll.u32 s28, $0x1;
	[dreg:$0x2] =	wrdreg s4  }
0xaf: {  	[dreg:$0x3] =	wrdreg s6  }
0xb0: {  	[dreg:$0x4] =	wrdreg $0xC0  }
0xb1: {  	_ =	task [dreg:s8], $0x5FFFF  }
0xb2: {  	[dreg:$0x1] =	wrdreg $0xFFFFFFFF  }
0xb3: {  	[dreg:$0x0] =	wrdreg $0x60  }
0xb4: {  	[dreg:$0x2] =	wrdreg s24  }
0xb5: {  	[dreg:$0x3] =	wrdreg s17  }
0xb6: {  	[dreg:$0x4] =	wrdreg s16  }
0xb7: {  	[dreg:$0x5] =	wrdreg $0xB  }
0xb8: {  	_ =	task.clear_ibuf [dreg:s8], $0x6FFFF;
	_ =	strace $0x90000046  }
0xb9: {  	s29 =	simm.s32 $0xB;
	_ =	strace $0x80000048  }
0xba: {  	_ =	swait.ge [sflag:s29], $0x1  }
0xbb: {  	[sflag:s29] =	ssyncadd.s32 $0xFFFFFFFF  }
0xbc: {  	_ =	strace $0x90000048  }
0xbd: {  	_ =	sfence  }
0xbe: {  	s30 =	sld [smem:$0x0];
	_ =	sdelay $0x2  }
0xbf: {  	s31 =	sshll.u32 s1, $0xD;
	s1 =	sshrl.u32 s1, $0x2  }
0xc0: {  	s3 =	sand.u32 $0x4000, s31;
	s1 =	sadd.s32 s1, s30  }
0xc1: {  	s0 =	sor.u32 s3, s0;
	s1 =	sshll.u32 s1, $0x11  }
0xc2: {  	s0 =	sor.u32 s1, s0  }
0xc3: {  	s0 =	sadd.s32 $0x8F2B, s0  }
0xc4: {  	[sflag:s0] =	ssyncadd.remote.s32 $0x1  }
0xc5: {  	_ =	sfence.sel $0xFFFF  }
0xc6: {  	[dreg:$0x0] =	wrdreg $0xFFFFFFFF;
	(pc) =	sbr.abs _section_cstart, $3  }
0xc7: {  	[dreg:$0x1] =	wrdreg $0xFFFFFFFF  }
0xc8: {  	_ =	task.clear_ibuf [dreg:s8], $0x2FFFF;
	_ =	strace $0x9FFFFFFF  }
0xc9: {  	(tm) =	ssettm $0x7FFFFFFF  }
tec
execute0_lowered:
.L_overlay_start_1:
0x0: {  	(tag) =	ssettag $0x1  }
0x1: {  	s7 =	rddreg [dreg:$0x0]  }
0x2: {  	s2 =	rddreg [dreg:$0x1]  }
0x3: {  	s3 =	rddreg [dreg:$0x2]  }
0x4: {  	s0 =	rddreg [dreg:$0x3];
	s1 =	srdreg.scid;
	_ =	strace $0x80000047  }
0x5: {  	s4 =	simm.s32 $0x1;
	s9 =	simm.s32 $0x3;
	s5 =	sshll.u32 s1, $0x4  }
.Ltmp0:
0x6: {  	s1 =	stileid.u32;
	s5 =	sand.u32 $0x10, s5;
	(pc) =	sbr.rel .LBB2_1-.Ltmp0, $4  }
0x7: {  	s12 =	simm.s32 $0x0;
	s10 =	simm.s32 $0x0;
	s6 =	sor.u32 s1, s5  }
0x8: {  	[sflag:s4] =	ssyncpa.u1 $0x0;
	s5 =	simm.s32 $0x2;
	s6 =	sshll.u32 s6, $0x7  }
0x9: {  	s7 =	sadd.s32 $0x2000, s7;
	[sflag:s5] =	ssyncpa.u1 $0x0;
	s8 =	sadd.s32 $0x80, s6  }
0xa: {  	vm0 =	vmmov $0xff;
	vm1 =	vcmask $0x3F20;
	[sflag:s9] =	ssyncpa.u1 $0x0;
	s9 =	simm.s32 $0x80;
	s11 =	smov.u32 s6  }
.LBB2_9:
0xb: {  	p0 =	seq.s32 s10, $0x2  }
.Ltmp1:
0xc: {  	_ = 	snop;
	(pc) =	sbr.rel @p0 .LBB2_11-.Ltmp1, $1  }
0xd: {  	_ =	sdelay $0x3  }
.LBB2_10:
0xe: {  	s12 =	sadd.s32 $0x80, s11  }
0xf: {  	s13 =	smov.u32 s6;
	p0 =	slt.s32 s12, s8  }
0x10: {  	s13 =	smov.u32 @p0 s12  }
0x11: {  	s10 =	sadd.s32 $0x1, s10;
	s12 =	smov.u32 s11;
	s11 =	smov.u32 s13  }
.LBB2_1:
0x12: {  	p0 =	sne.s32 s10, $0x0  }
.Ltmp2:
0x13: {  	_ = 	snop;
	(pc) =	sbr.rel @!p0 .LBB2_2-.Ltmp2, $1  }
0x14: {  	_ =	sdelay $0x3  }
0x15: {  	s13 =	sand.u32 $0x1, s10  }
0x16: {  	p0 =	seq.s32 s13, $0x0  }
.Ltmp3:
0x17: {  	_ = 	snop;
	(pc) =	sbr.rel @p0 .LBB2_9-.Ltmp3, $1  }
0x18: {  	_ =	sdelay $0x3  }
0x19: {  	_ =	swait.ge [sflag:s5], $0x80  }
0x1a: {  	[sflag:s5] =	ssyncset.done $0x0  }
0x1b: {  	s13 =	simm.s32 $0x0;
	[sflag:s5] =	ssyncadd.s32 $0xFFFFFF80  }
0x1c: {  	v0 =	vld.msk [tilespmem:s13+$0x80 ss:$0x1], $0xffff;
	_ =	sdelay $0x4  }
0x1d: {  	v1 =	vand.u32 $0x3, v0;
	v2 =	vshll.u32 v0, $0x5  }
0x1e: {  	vm2 =	veq.s32 v0, $0x80000000;
	v0 =	vmul.u32 $0x580000, v1;
	v1 =	vand.u32 $0x7FFF80, v2  }
0x1f: {  	v1 =	vsel vm2, $0xFFFFFF80, v1  }
0x20: {  	v0 =	vsel vm2, $0xFFA80000, v0;
	v2 =	vand.u32 $0xFFFFFC00, v1  }
0x21: {  	v1 =	vand.u32 $0x380, v1;
	v0 =	vadd.s32 v0, v2  }
0x22: {  	v0 =	vor.u32 v1, v0  }
0x23: {  	v0 =	vshrl.u32 v0, $0x3;
	_ =	sdelay $0x3  }
0x24: {  	s13 =	simm.s32 $0x4100  }
0x25: {  	[tilespmem:s13], [sflag:$0x1] =	stream.indirect_vreg.gather [hbm:s7], $0x80, v0, vm0, $0x38;
	[tilespmem:$0x8100] =	vst v63  }
0x26: {  	s14 =	simm.s32 $0x4500;
	s31 =	simm.s32 $0x10  }
0x27: {  	[tilespmem:s14], [sflag:$0x1] =	stream.indirect_vreg.gather [hbm:s7], $0x80, v0, vm1, $0x38;
	[tilespmem:$0x8100] =	vst v63  }
0x28: {  	s14 =	simm.s32 $0x80;
	v0 =	vld.msk [tilespmem:s31+$0x80 ss:$0x1], $0xffff  }
.LBB2_5:
0x29: {  	p0 =	sne.s32 s14, $0x1C0;
	_ =	sdelay $0x4  }
0x2a: {  	v1 =	vand.u32 $0x3, v0;
	v2 =	vshll.u32 v0, $0x5  }
0x2b: {  	vm2 =	veq.s32 v0, $0x80000000;
	v0 =	vmul.u32 $0x580000, v1;
	v1 =	vand.u32 $0x7FFF80, v2  }
0x2c: {  	v1 =	vsel vm2, $0xFFFFFF80, v1  }
0x2d: {  	v0 =	vsel vm2, $0xFFA80000, v0;
	v2 =	vand.u32 $0xFFFFFC00, v1  }
0x2e: {  	v1 =	vand.u32 $0x380, v1;
	v0 =	vadd.s32 v0, v2  }
0x2f: {  	v0 =	vor.u32 v1, v0  }
0x30: {  	v0 =	vshrl.u32 v0, $0x3;
	_ =	sdelay $0x3  }
.Ltmp4:
0x31: {  	s13 =	sadd.s32 $0x800, s13;
	(pc) =	sbr.rel @p0 .LBB2_5-.Ltmp4, $4  }
0x32: {  	[tilespmem:s13], [sflag:$0x1] =	stream.indirect_vreg.gather [hbm:s7], $0x80, v0, vm0, $0x38;
	[tilespmem:$0x8100] =	vst v63  }
0x33: {  	s15 =	sshra.s32 s14, $0x2;
	s16 =	sadd.s32 $0x400, s13  }
0x34: {  	[tilespmem:s16], [sflag:$0x1] =	stream.indirect_vreg.gather [hbm:s7], $0x80, v0, vm1, $0x38;
	[tilespmem:$0x8100] =	vst v63  }
0x35: {  	s14 =	sadd.s32 $0x40, s14;
	v0 =	vld.msk [tilespmem:s15+$0x80 ss:$0x1], $0xffff  }
0x36: {  	_ =	sdelay $0x3  }
0x37: {  	v1 =	vand.u32 $0x3, v0;
	v2 =	vshll.u32 v0, $0x5  }
0x38: {  	vm2 =	veq.s32 v0, $0x80000000;
	v61 =	vmul.u32 $0x580000, v1;
	v62 =	vand.u32 $0x7FFF80, v2  }
0x39: {  	v1 =	vsel vm2, $0xFFFFFF80, v62  }
0x3a: {  	v0 =	vsel vm2, $0xFFA80000, v61;
	v63 =	vand.u32 $0xFFFFFC00, v1  }
0x3b: {  	v1 =	vand.u32 $0x380, v1;
	v0 =	vadd.s32 v0, v63  }
0x3c: {  	v0 =	vor.u32 v1, v0  }
0x3d: {  	v0 =	vshrl.u32 v0, $0x3;
	_ =	sdelay $0x3  }
0x3e: {  	s13 =	sadd.s32 $0x800, s13  }
0x3f: {  	[tilespmem:s13], [sflag:$0x1] =	stream.indirect_vreg.gather [hbm:s7], $0x80, v0, vm0, $0x38;
	[tilespmem:$0x8100] =	vst v63  }
0x40: {  	s13 =	sadd.s32 $0x400, s13  }
0x41: {  	[tilespmem:s13], [sflag:$0x1] =	stream.indirect_vreg.gather [hbm:s7], $0x80, v0, vm1, $0x38;
	[tilespmem:$0x8100] =	vst v63  }
0x42: {  	s12 =	sshll.u32 s12, $0x4;
	s14 =	simm.s32 $0x80;
	_ =	swait.ge [sflag:s4], $0x4000  }
0x43: {  	s15 =	simm.s32 $0x4500;
	s12 =	sadd.s32 s12, s3;
	[sflag:s4] =	ssyncset.done $0x0  }
0x44: {  	s16 =	sadd.s32 $0x0, s12;
	s13 =	simm.s32 $0x4100;
	[sflag:s4] =	ssyncadd.s32 $0xFFFFC000  }
.LBB2_7:
0x45: {  	[hbm:s16] =	stream.linear.scatter [tilespmem:s13], [sflag:$0x3], $0x400, $0x38;
	[tilespmem:$0x8100] =	vst v63  }
0x46: {  	s16 =	smov.u32 s14;
	s13 =	smov.u32 s15;
	p0 =	sne.s32 s14, $0x780  }
.Ltmp5:
0x47: {  	s14 =	sadd.s32 $0x80, s14;
	(pc) =	sbr.rel @p0 .LBB2_7-.Ltmp5, $2  }
0x48: {  	_ =	sdelay $0x2  }
0x49: {  	s15 =	sadd.s32 $0x400, s15;
	s16 =	sadd.s32 s16, s12  }
.Ltmp6:
0x4a: {  	(pc) =	sbr.rel .LBB2_9-.Ltmp6, $2  }
0x4b: {  	_ =	sdelay $0x2  }
0x4c: {  	[hbm:s16] =	stream.linear.scatter [tilespmem:s13], [sflag:$0x3], $0x400, $0x38;
	[tilespmem:$0x8100] =	vst v63  }
.LBB2_2:
.Ltmp7:
0x4d: {  	(pc) =	sbr.rel .LBB2_10-.Ltmp7, $4  }
0x4e: {  	_ = 	snop  }
0x4f: {  	s12 =	sshrl.u32 s11, $0x3  }
0x50: {  	s13 =	sand.u32 $0x7, s11;
	s12 =	sadd.s32 s2, s12  }
0x51: {  	[tilespmem:s9], [sflag:$0x2] =	stream.linear.gather [hbm4b:s12+s13], $0x80, $0x38;
	[tilespmem:$0x8100] =	vst v63  }
.LBB2_11:
0x52: {  	s2 =	simm.s32 $0x3  }
0x53: {  	_ =	swait.ge [sflag:s2], $0x4000  }
0x54: {  	[sflag:s2] =	ssyncset.done $0x0  }
0x55: {  	[sflag:s2] =	ssyncadd.s32 $0xFFFFC000  }
0x56: {  	_ =	sfence.sel $0x180000  }
0x57: {  	s3 =	simm.s32 $0x2;
	[bflag:$0x0] =	sbarrier.arrive $0xFFFF  }
0x58: {  	[sflag:s3] =	ssyncpa.u1 $0x1  }
0x59: {  	s31 =	simm.s32 $0x1;
	[sflag:s2] =	ssyncpa.u1 $0x1  }
0x5a: {  	[sflag:s31] =	ssyncpa.u1 $0x1  }
0x5b: {  	p0 =	sne.s32 s1, $0x0;
	_ =	strace $0x90000047  }
0x5c: {  	s0 =	sadd.s32 @!p0 $0x100000, s0;
	[bflag:$0x2] =	sbarrier.arrive $0xFFFF  }
0x5d: {  	[sflag:s0] =	ssyncadd.tile.s32 @!p0 $0x1;
	_ =	shalt  }
.Lfunc_end2:
_tile_overlayer_lowered:
.L_overlay_start_2:
0x5e: {  	(tag) =	ssettag $0x2  }
0x5f: {  	s0 =	rddreg [dreg:$0x0];
	s2 =	stileid.u32  }
0x60: {  	s1 =	rddreg [dreg:$0x1];
	p0 =	sne.s32 s2, $0x0  }
0x61: {  	s3 =	rddreg [dreg:$0x2];
	[bflag:$0x3] =	sbarrier.arrive $0xFFFF;
	s2 =	simm.s32 @!p0 $0x1C01  }
0x62: {  	[timem:s3], [sflag:s2] =	dma.local @!p0 [hbm:s0], s1  }
0x63: {  	s0 =	simm.s32 @!p0 $0x1  }
0x64: {  	_ =	swait.ge @!p0 [sflag:s0], s1  }
0x65: {  	s1 =	ssub.s32 @!p0 $0x0, s1;
	[sflag:s0] =	ssyncset.done @!p0 $0x0  }
0x66: {  	[sflag:s0] =	ssyncadd.s32 @!p0 s1  }
0x67: {  	[bflag:$0x3] =	sbarrier.arrive $0xFFFF  }
0x68: {  	_ =	shalt  }

// kernel: gather_offload_async_start
scs
__scs_entry_jumppad:
0x0: {  	(pc) =	sbr.rel $0x88, $3  }
0x1: {  	(tag) =	ssettag $0x0;
	lr =	simm.s32 $0x1  }
0x2: {  	[smem:$0x3F90] =	sst lr;
	_ =	strace $0xD0000000  }
0x3: {  	_ = 	snop  }
0x4: {  	_ = 	snop  }
0x5: {  	_ = 	snop  }
0x6: {  	_ = 	snop  }
0x7: {  	_ = 	snop  }
__scs_overlays_trampoline_lowered:
0x8: {  	[smem:$0x3F9F] =	sst s0  }
0x9: {  	[smem:$0x3FA0] =	sst s1  }
0xa: {  	[smem:$0x3FA1] =	sst s2  }
0xb: {  	[smem:$0x3FA2] =	sst s3  }
0xc: {  	[smem:$0x3FA3] =	sst s4  }
0xd: {  	[smem:$0x3FA4] =	sst s5  }
0xe: {  	[smem:$0x3FA5] =	sst s6  }
0xf: {  	[smem:$0x3FA6] =	sst s7  }
0x10: {  	[smem:$0x3FA7] =	sst s8  }
0x11: {  	[smem:$0x3FA8] =	sst s9;
	s0 =	simm.s32 @!p0 $0x0  }
0x12: {  	s1 =	sld [smem:$0x3F8E];
	s0 =	simm.s32 @p0 $0x1  }
0x13: {  	[smem:$0x3FA9] =	sst s0;
	s0 =	simm.s32 @!p1 $0x0  }
0x14: {  	s2 =	sld [smem:$0x3F8D];
	s0 =	simm.s32 @p1 $0x1  }
0x15: {  	[smem:$0x3FAA] =	sst s0;
	s0 =	simm.s32 @!p2 $0x0  }
0x16: {  	s3 =	sld [smem:$0x3FDB];
	s0 =	simm.s32 @p2 $0x1  }
0x17: {  	s4 =	simm.s32 $0x1BF5;
	[smem:$0x3FAC] =	sst s0  }
0x18: {  	s0 =	sld [smem:$0x3F8F];
	_ =	swait.ge [sflag:s4], $0x0  }
0x19: {  	s7 =	sld [smem:$0x3F90]  }
0x1a: {  	s8 =	sadd.s32 $0xFFFFE003, lr  }
0x1b: {  	s9 =	sadd.s32 $0xFFFFFEF7, lr;
	s5 =	simm.s32 $0xFFFFFFFF;
	p2 =	slt.u32 s8, $0xFFFFF086  }
0x1c: {  	p1 =	slt.u32 s9, $0xF7A;
	s5 =	simm.s32 @!p2 $0x0  }
0x1d: {  	s5 =	simm.s32 @p1 $0x1;
	p0 =	seq.s32 s7, s2  }
0x1e: {  	s7 =	smul.u32 @!p0 $0xF7A, s2;
	p2 =	seq.s32 @!p0 s5, $0x0  }
0x1f: {  	s9 =	smul.u32 $0xF7A, s1;
	s8 =	simm.s32 @!p0 $0x1BF5;
	p2 =	por !p2, p0  }
0x20: {  	[sflag:s8] =	ssyncset.s32 @!p0 $0xFFFFF086;
	s6 =	sadd.s32 @!p0 s3, s7;
	s7 =	simm.s32 @!p0 $0x108  }
0x21: {  	s3 =	sadd.s32 s3, s9;
	s6 =	sadd.s32 @!p0 $0x88, s6;
	s7 =	simm.s32 @p2 $0x1082  }
0x22: {  	[simem:s7], [sflag:s8] =	dma.local @!p0 [hbm:s6], $0xF7A  }
0x23: {  	s9 =	sor.u32 $0xD0000000, s2;
	s6 =	simm.s32 $0x108;
	_ =	swait.ge @!p0 [sflag:s8], $0x0  }
0x24: {  	s3 =	sadd.s32 $0x88, s3;
	s6 =	simm.s32 @!p1 $0x1082;
	[sflag:s4] =	ssyncset.s32 $0xFFFFF086  }
0x25: {  	[simem:s6], [sflag:s4] =	dma.local [hbm:s3], $0xF7A  }
0x26: {  	[smem:$0x3F90] =	sst s1;
	(tag) =	ssettag s2;
	_ =	strace s9  }
0x27: {  	s1 =	sld [smem:$0x3FA0]  }
0x28: {  	s2 =	sld [smem:$0x3FA1]  }
0x29: {  	s4 =	sld [smem:$0x3FA3]  }
0x2a: {  	p0 =	seq.s32 s5, $0x0;
	s5 =	sld [smem:$0x3FA4]  }
0x2b: {  	s6 =	sld [smem:$0x3FA5]  }
0x2c: {  	s7 =	sld [smem:$0x3FA6]  }
0x2d: {  	s3 =	simm.s32 $0x108;
	s8 =	sld [smem:$0x3FA7]  }
0x2e: {  	s3 =	simm.s32 @!p0 $0x1082;
	s9 =	sld [smem:$0x3FA8]  }
0x2f: {  	lr =	sadd.s32 s0, s3;
	s0 =	sld [smem:$0x3F9F]  }
0x30: {  	s3 =	sld [smem:$0x3FA2]  }
0x31: {  	[smem:$0x3FAB] =	sst s10  }
0x32: {  	s10 =	sld [smem:$0x3FA9];
	_ =	sdelay $0x3  }
0x33: {  	p0 =	seq.s32 s10, $0x1;
	s10 =	sld [smem:$0x3FAB];
	_ =	sdelay $0x3  }
0x34: {  	[smem:$0x3FAB] =	sst s10  }
0x35: {  	s10 =	sld [smem:$0x3FAA];
	_ =	sdelay $0x3  }
0x36: {  	p1 =	seq.s32 s10, $0x1;
	s10 =	sld [smem:$0x3FAB];
	_ =	sdelay $0x3  }
0x37: {  	[smem:$0x3FAB] =	sst s10  }
0x38: {  	s10 =	sld [smem:$0x3FAC]  }
0x39: {  	_ = 	snop;
	(pc) =	sbr.ind lr, $3  }
0x3a: {  	_ = 	snop  }
0x3b: {  	_ = 	snop  }
0x3c: {  	p2 =	seq.s32 s10, $0x1;
	s10 =	sld [smem:$0x3FAB]  }
0x3d: {  	_ =	shalt  }
0x3e: {  	_ =	shalt  }
0x3f: {  	_ =	shalt  }
0x40: {  	_ =	shalt  }
0x41: {  	_ =	shalt  }
0x42: {  	_ =	shalt  }
0x43: {  	_ =	shalt  }
0x44: {  	_ =	shalt  }
0x45: {  	_ =	shalt  }
0x46: {  	_ =	shalt  }
0x47: {  	_ =	shalt  }
0x48: {  	_ =	shalt  }
0x49: {  	_ =	shalt  }
0x4a: {  	_ =	shalt  }
0x4b: {  	_ =	shalt  }
0x4c: {  	_ =	shalt  }
0x4d: {  	_ =	shalt  }
0x4e: {  	_ =	shalt  }
0x4f: {  	_ =	shalt  }
0x50: {  	_ =	shalt  }
0x51: {  	_ =	shalt  }
0x52: {  	_ =	shalt  }
0x53: {  	_ =	shalt  }
0x54: {  	_ =	shalt  }
0x55: {  	_ =	shalt  }
0x56: {  	_ =	shalt  }
0x57: {  	_ =	shalt  }
0x58: {  	_ =	shalt  }
0x59: {  	_ =	shalt  }
0x5a: {  	_ =	shalt  }
0x5b: {  	_ =	shalt  }
0x5c: {  	_ =	shalt  }
0x5d: {  	_ =	shalt  }
0x5e: {  	_ =	shalt  }
0x5f: {  	_ =	shalt  }
0x60: {  	_ =	shalt  }
0x61: {  	_ =	shalt  }
0x62: {  	_ =	shalt  }
0x63: {  	_ =	shalt  }
0x64: {  	_ =	shalt  }
0x65: {  	_ =	shalt  }
0x66: {  	_ =	shalt  }
0x67: {  	_ =	shalt  }
0x68: {  	_ =	shalt  }
0x69: {  	_ =	shalt  }
0x6a: {  	_ =	shalt  }
0x6b: {  	_ =	shalt  }
0x6c: {  	_ =	shalt  }
0x6d: {  	_ =	shalt  }
0x6e: {  	_ =	shalt  }
0x6f: {  	_ =	shalt  }
0x70: {  	_ =	shalt  }
0x71: {  	_ =	shalt  }
0x72: {  	_ =	shalt  }
0x73: {  	_ =	shalt  }
0x74: {  	_ =	shalt  }
0x75: {  	_ =	shalt  }
0x76: {  	_ =	shalt  }
0x77: {  	_ =	shalt  }
0x78: {  	_ =	shalt  }
0x79: {  	_ =	shalt  }
0x7a: {  	_ =	shalt  }
0x7b: {  	_ =	shalt  }
0x7c: {  	_ =	shalt  }
0x7d: {  	_ =	shalt  }
0x7e: {  	_ =	shalt  }
0x7f: {  	_ =	shalt  }
0x80: {  	_ =	shalt  }
0x81: {  	_ =	shalt  }
0x82: {  	_ =	shalt  }
0x83: {  	_ =	shalt  }
0x84: {  	_ =	shalt  }
0x85: {  	_ =	shalt  }
0x86: {  	_ =	shalt  }
0x87: {  	_ =	shalt  }
.Lfunc_end0:
.L_simem_size_0:
called_computation_lowered:
.L_overlay_start_0:
0x88: {  	s2 =	sld [smem:$0x3FD9]  }
0x89: {  	s3 =	sld [smem:$0x3FFE];
	_ =	sdelay $0x1  }
0x8a: {  	s1 =	srdreg.scid  }
0x8b: {  	s0 =	sand.u32 $0x1, s1  }
0x8c: {  	s17 =	sshll.u32 s0, $0xA;
	s2 =	sadd.s32 s3, s2  }
0x8d: {  	s2 =	sadd.s32 s2, s17  }
0x8e: {  	[smem:$0x3FB7] =	sst s2  }
0x8f: {  	_ = 	snop  }
0x90: {  	s18 =	sld [smem:$0x3FC9];
	(tm) =	ssettm $0x1  }
0x91: {  	s19 =	sld [smem:$0x3FFB];
	_ =	sdelay $0x3  }
0x92: {  	_ =	strace s19  }
0x93: {  	s2 =	sld [smem:$0x3FFC];
	_ =	sdelay $0x3  }
0x94: {  	_ =	strace s2  }
0x95: {  	s2 =	sld [smem:$0x3FFD];
	_ =	sdelay $0x3  }
0x96: {  	_ =	strace s2  }
0x97: {  	_ =	strace $0x8FFFFFFF  }
0x98: {  	s20 =	sld [smem:$0x3FDB];
	_ =	sdelay $0x1  }
0x99: {  	s4 =	simm.s32 $_scs_section_size  }
0x9a: {  	s5 =	simm.s32 $_size__tile_overlayer_lowered;
	s6 =	simm.s32 $_tile_overlayer_lowered  }
0x9b: {  	s7 =	simm.s32 $0x1BFF;
	s21 =	sshll.u32 s6, $0x1;
	s4 =	sadd.s32 s4, s20  }
0x9c: {  	s22 =	simm.s32 $0x0;
	s5 =	sshll.u32 s5, $0x1;
	s6 =	sadd.s32 s21, s4  }
0x9d: {  	[timem:s22], [sflag:s7] =	dma.local [hbm:s6], s5  }
0x9e: {  	_ =	swait.ge [sflag:s7], s5  }
0x9f: {  	s5 =	ssub.s32 $0x0, s5;
	[sflag:s7] =	ssyncset.done $0x0  }
0xa0: {  	[sflag:s7] =	ssyncadd.s32 s5;
	_ =	sdelay $0x1  }
0xa1: {  	s23 =	simm.s32 $0x1B8B  }
0xa2: {  	_ =	swait.ge [sflag:s23], $0x1  }
0xa3: {  	[sflag:s23] =	ssyncset.done $0x0  }
0xa4: {  	[sflag:s23] =	ssyncadd.s32 $0xFFFFFFFF  }
0xa5: {  	s5 =	sld [smem:$0x0]  }
0xa6: {  	s6 =	sand.u32 $0xFFFFFFFE, s1  }
0xa7: {  	p0 =	sne.s32 s1, s6  }
0xa8: {  	s6 =	sshll.u32 @p0 s6, $0xE  }
0xa9: {  	s6 =	sadd.s32 @p0 $0x11B8D, s6;
	s7 =	sshll.u32 @p0 s5, $0x11  }
0xaa: {  	s6 =	sor.u32 @p0 s7, s6  }
0xab: {  	[sflag:s6] =	ssyncadd.remote.s32 @p0 $0x1;
	_ =	sdelay $0x1  }
0xac: {  	s6 =	simm.s32 @p0 $0x1B8D  }
0xad: {  	_ =	swait.eq @p0 [sflag:s6], $0x1  }
0xae: {  	[sflag:s6] =	ssyncadd.s32 @p0 $0xFFFFFFFF  }
0xaf: {  	s7 =	sshll.u32 @!p0 s1, $0xE  }
0xb0: {  	s7 =	sor.u32 @!p0 $0x4000, s7;
	s6 =	simm.s32 @!p0 $0x1B8D  }
0xb1: {  	s5 =	sshll.u32 @!p0 s5, $0x11;
	s7 =	sadd.s32 @!p0 $0x11B8D, s7;
	_ =	swait.eq @!p0 [sflag:s6], $0x1  }
0xb2: {  	s5 =	sor.u32 @!p0 s5, s7;
	[sflag:s6] =	ssyncadd.s32 @!p0 $0xFFFFFFFF  }
0xb3: {  	s25 =	simm.s32 $0x1B8E;
	s24 =	sld [smem:$0x3FFE];
	[sflag:s5] =	ssyncadd.remote.s32 @!p0 $0x1  }
0xb4: {  	s26 =	simm.s32 $execute0_lowered;
	[smem:$0x3FD2] =	sst s25  }
0xb5: {  	s6 =	sshll.u32 s26, $0x1;
	_ =	strace $0x80000049;
	[dreg:$0x1] =	wrdreg $0xFFFFFFFF  }
0xb6: {  	s28 =	simm.s32 $_size_execute0_lowered;
	s4 =	sadd.s32 s4, s6;
	[dreg:$0x0] =	wrdreg $0x0  }
0xb7: {  	s6 =	sshll.u32 s28, $0x1;
	[dreg:$0x2] =	wrdreg s4  }
0xb8: {  	[dreg:$0x3] =	wrdreg s6  }
0xb9: {  	[dreg:$0x4] =	wrdreg $0xC0  }
0xba: {  	_ =	task [dreg:s22], $0x5FFFF  }
0xbb: {  	[dreg:$0x1] =	wrdreg $0xFFFFFFFF  }
0xbc: {  	[dreg:$0x0] =	wrdreg $0x60  }
0xbd: {  	[dreg:$0x2] =	wrdreg s18  }
0xbe: {  	[dreg:$0x3] =	wrdreg s24  }
0xbf: {  	[dreg:$0x4] =	wrdreg $0x9  }
0xc0: {  	_ =	task.clear_ibuf [dreg:s22], $0x5FFFF;
	_ =	strace $0x90000049  }
0xc1: {  	s29 =	simm.s32 $0x9;
	_ =	strace $0x8000004B  }
0xc2: {  	_ =	swait.ge [sflag:s29], $0x1  }
0xc3: {  	[sflag:s29] =	ssyncadd.s32 $0xFFFFFFFF  }
0xc4: {  	_ =	strace $0x9000004B  }
0xc5: {  	_ =	sfence  }
0xc6: {  	s30 =	sld [smem:$0x0];
	_ =	sdelay $0x2  }
0xc7: {  	s31 =	sshll.u32 s1, $0xD;
	s1 =	sshrl.u32 s1, $0x2  }
0xc8: {  	s4 =	sand.u32 $0x4000, s31;
	s1 =	sadd.s32 s1, s30  }
0xc9: {  	s0 =	sor.u32 s4, s0;
	s1 =	sshll.u32 s1, $0x11  }
0xca: {  	s0 =	sor.u32 s1, s0  }
0xcb: {  	s0 =	sadd.s32 $0x8F2B, s0  }
0xcc: {  	[sflag:s0] =	ssyncadd.remote.s32 $0x1  }
0xcd: {  	_ =	sfence.sel $0xFFFF  }
0xce: {  	[dreg:$0x0] =	wrdreg $0xFFFFFFFF;
	(pc) =	sbr.abs _section_cstart, $3  }
0xcf: {  	[dreg:$0x1] =	wrdreg $0xFFFFFFFF  }
0xd0: {  	_ =	task.clear_ibuf [dreg:s22], $0x2FFFF;
	_ =	strace $0x9FFFFFFF  }
0xd1: {  	(tm) =	ssettm $0x7FFFFFFF  }
tec
execute0_lowered:
.L_overlay_start_1:
0x0: {  	(tag) =	ssettag $0x1  }
0x1: {  	s2 =	rddreg [dreg:$0x0]  }
0x2: {  	s7 =	rddreg [dreg:$0x1]  }
0x3: {  	s0 =	rddreg [dreg:$0x2]  }
0x4: {  	s1 =	srdreg.scid;
	_ =	strace $0x8000004A;
	s4 =	simm.s32 $0x1  }
0x5: {  	s9 =	simm.s32 $0x3;
	s12 =	simm.s32 $0x0;
	s5 =	sshll.u32 s1, $0x4  }
.Ltmp0:
0x6: {  	s1 =	stileid.u32;
	s5 =	sand.u32 $0x10, s5;
	(pc) =	sbr.rel .LBB2_1-.Ltmp0, $4  }
0x7: {  	s10 =	simm.s32 $0x0;
	s3 =	sadd.s32 $0x2C2200, s7;
	s6 =	sor.u32 s1, s5  }
0x8: {  	[sflag:s4] =	ssyncpa.u1 $0x0;
	s5 =	simm.s32 $0x2;
	s6 =	sshll.u32 s6, $0x7  }
0x9: {  	s7 =	sadd.s32 $0x2C2600, s7;
	[sflag:s5] =	ssyncpa.u1 $0x0;
	s8 =	sadd.s32 $0x80, s6  }
0xa: {  	vm0 =	vmmov $0xff;
	vm1 =	vcmask $0x3F20;
	[sflag:s9] =	ssyncpa.u1 $0x0;
	s9 =	simm.s32 $0x80;
	s11 =	smov.u32 s6  }
.LBB2_9:
0xb: {  	p0 =	seq.s32 s10, $0x2  }
.Ltmp1:
0xc: {  	_ = 	snop;
	(pc) =	sbr.rel @p0 .LBB2_11-.Ltmp1, $1  }
0xd: {  	_ =	sdelay $0x3  }
.LBB2_10:
0xe: {  	s12 =	sadd.s32 $0x80, s11  }
0xf: {  	s13 =	smov.u32 s6;
	p0 =	slt.s32 s12, s8  }
0x10: {  	s13 =	smov.u32 @p0 s12  }
0x11: {  	s10 =	sadd.s32 $0x1, s10;
	s12 =	smov.u32 s11;
	s11 =	smov.u32 s13  }
.LBB2_1:
0x12: {  	p0 =	sne.s32 s10, $0x0  }
.Ltmp2:
0x13: {  	_ = 	snop;
	(pc) =	sbr.rel @!p0 .LBB2_2-.Ltmp2, $1  }
0x14: {  	_ =	sdelay $0x3  }
0x15: {  	s13 =	sand.u32 $0x1, s10  }
0x16: {  	p0 =	seq.s32 s13, $0x0  }
.Ltmp3:
0x17: {  	_ = 	snop;
	(pc) =	sbr.rel @p0 .LBB2_9-.Ltmp3, $1  }
0x18: {  	_ =	sdelay $0x3  }
0x19: {  	_ =	swait.ge [sflag:s5], $0x80  }
0x1a: {  	[sflag:s5] =	ssyncset.done $0x0  }
0x1b: {  	s13 =	simm.s32 $0x0;
	[sflag:s5] =	ssyncadd.s32 $0xFFFFFF80  }
0x1c: {  	v0 =	vld.msk [tilespmem:s13+$0x80 ss:$0x1], $0xffff;
	_ =	sdelay $0x4  }
0x1d: {  	v1 =	vshll.u32 v0, $0x5  }
0x1e: {  	vm2 =	veq.s32 v0, $0x80000000;
	v0 =	vshll.u32 v0, $0x16;
	v1 =	vand.u32 $0x3FFF80, v1  }
0x1f: {  	v0 =	vand.u32 $0xC00000, v0;
	v1 =	vsel vm2, $0xFFFFFF80, v1  }
0x20: {  	v0 =	vsel vm2, $0xFFC00000, v0;
	v2 =	vand.u32 $0xFFFFFC00, v1  }
0x21: {  	v1 =	vand.u32 $0x380, v1;
	v0 =	vadd.s32 v0, v2  }
0x22: {  	v0 =	vor.u32 v1, v0  }
0x23: {  	v0 =	vshrl.u32 v0, $0x3;
	_ =	sdelay $0x3  }
0x24: {  	s13 =	simm.s32 $0x4100  }
0x25: {  	[tilespmem:s13], [sflag:$0x1] =	stream.indirect_vreg.gather [hbm:s2], $0x80, v0, vm0, $0x38;
	[tilespmem:$0x8100] =	vst v63  }
0x26: {  	s14 =	simm.s32 $0x4500;
	s31 =	simm.s32 $0x10  }
0x27: {  	[tilespmem:s14], [sflag:$0x1] =	stream.indirect_vreg.gather [hbm:s2], $0x80, v0, vm1, $0x38;
	[tilespmem:$0x8100] =	vst v63  }
0x28: {  	s14 =	simm.s32 $0x80;
	v0 =	vld.msk [tilespmem:s31+$0x80 ss:$0x1], $0xffff  }
.LBB2_5:
0x29: {  	p0 =	sne.s32 s14, $0x1C0;
	_ =	sdelay $0x4  }
0x2a: {  	v1 =	vshll.u32 v0, $0x5  }
0x2b: {  	vm2 =	veq.s32 v0, $0x80000000;
	v0 =	vshll.u32 v0, $0x16;
	v1 =	vand.u32 $0x3FFF80, v1  }
0x2c: {  	v0 =	vand.u32 $0xC00000, v0;
	v1 =	vsel vm2, $0xFFFFFF80, v1  }
0x2d: {  	v0 =	vsel vm2, $0xFFC00000, v0;
	v2 =	vand.u32 $0xFFFFFC00, v1  }
0x2e: {  	v1 =	vand.u32 $0x380, v1;
	v0 =	vadd.s32 v0, v2  }
0x2f: {  	v0 =	vor.u32 v1, v0  }
0x30: {  	v0 =	vshrl.u32 v0, $0x3;
	_ =	sdelay $0x3  }
.Ltmp4:
0x31: {  	s13 =	sadd.s32 $0x800, s13;
	(pc) =	sbr.rel @p0 .LBB2_5-.Ltmp4, $4  }
0x32: {  	[tilespmem:s13], [sflag:$0x1] =	stream.indirect_vreg.gather [hbm:s2], $0x80, v0, vm0, $0x38;
	[tilespmem:$0x8100] =	vst v63  }
0x33: {  	s15 =	sshra.s32 s14, $0x2;
	s16 =	sadd.s32 $0x400, s13  }
0x34: {  	[tilespmem:s16], [sflag:$0x1] =	stream.indirect_vreg.gather [hbm:s2], $0x80, v0, vm1, $0x38;
	[tilespmem:$0x8100] =	vst v63  }
0x35: {  	s14 =	sadd.s32 $0x40, s14;
	v0 =	vld.msk [tilespmem:s15+$0x80 ss:$0x1], $0xffff  }
0x36: {  	_ =	sdelay $0x3  }
0x37: {  	v1 =	vshll.u32 v0, $0x5  }
0x38: {  	vm2 =	veq.s32 v0, $0x80000000;
	v63 =	vshll.u32 v0, $0x16;
	v1 =	vand.u32 $0x3FFF80, v1  }
0x39: {  	v0 =	vand.u32 $0xC00000, v63;
	v1 =	vsel vm2, $0xFFFFFF80, v1  }
0x3a: {  	v0 =	vsel vm2, $0xFFC00000, v0;
	v2 =	vand.u32 $0xFFFFFC00, v1  }
0x3b: {  	v1 =	vand.u32 $0x380, v1;
	v0 =	vadd.s32 v0, v2  }
0x3c: {  	v0 =	vor.u32 v1, v0  }
0x3d: {  	v0 =	vshrl.u32 v0, $0x3;
	_ =	sdelay $0x3  }
0x3e: {  	s13 =	sadd.s32 $0x800, s13  }
0x3f: {  	[tilespmem:s13], [sflag:$0x1] =	stream.indirect_vreg.gather [hbm:s2], $0x80, v0, vm0, $0x38;
	[tilespmem:$0x8100] =	vst v63  }
0x40: {  	s13 =	sadd.s32 $0x400, s13  }
0x41: {  	[tilespmem:s13], [sflag:$0x1] =	stream.indirect_vreg.gather [hbm:s2], $0x80, v0, vm1, $0x38;
	[tilespmem:$0x8100] =	vst v63  }
0x42: {  	s12 =	sshll.u32 s12, $0x4;
	s14 =	simm.s32 $0x80;
	_ =	swait.ge [sflag:s4], $0x4000  }
0x43: {  	s15 =	simm.s32 $0x4500;
	s12 =	sadd.s32 s12, s7;
	[sflag:s4] =	ssyncset.done $0x0  }
0x44: {  	s16 =	sadd.s32 $0x0, s12;
	s13 =	simm.s32 $0x4100;
	[sflag:s4] =	ssyncadd.s32 $0xFFFFC000  }
.LBB2_7:
0x45: {  	[hbm:s16] =	stream.linear.scatter [tilespmem:s13], [sflag:$0x3], $0x400, $0x38;
	[tilespmem:$0x8100] =	vst v63  }
0x46: {  	s16 =	smov.u32 s14;
	s13 =	smov.u32 s15;
	p0 =	sne.s32 s14, $0x780  }
.Ltmp5:
0x47: {  	s14 =	sadd.s32 $0x80, s14;
	(pc) =	sbr.rel @p0 .LBB2_7-.Ltmp5, $2  }
0x48: {  	_ =	sdelay $0x2  }
0x49: {  	s15 =	sadd.s32 $0x400, s15;
	s16 =	sadd.s32 s16, s12  }
.Ltmp6:
0x4a: {  	(pc) =	sbr.rel .LBB2_9-.Ltmp6, $2  }
0x4b: {  	_ =	sdelay $0x2  }
0x4c: {  	[hbm:s16] =	stream.linear.scatter [tilespmem:s13], [sflag:$0x3], $0x400, $0x38;
	[tilespmem:$0x8100] =	vst v63  }
.LBB2_2:
.Ltmp7:
0x4d: {  	(pc) =	sbr.rel .LBB2_10-.Ltmp7, $4  }
0x4e: {  	_ = 	snop  }
0x4f: {  	s12 =	sshrl.u32 s11, $0x3  }
0x50: {  	s13 =	sand.u32 $0x7, s11;
	s12 =	sadd.s32 s3, s12  }
0x51: {  	[tilespmem:s9], [sflag:$0x2] =	stream.linear.gather [hbm4b:s12+s13], $0x80, $0x38;
	[tilespmem:$0x8100] =	vst v63  }
.LBB2_11:
0x52: {  	s2 =	simm.s32 $0x3  }
0x53: {  	_ =	swait.ge [sflag:s2], $0x4000  }
0x54: {  	[sflag:s2] =	ssyncset.done $0x0  }
0x55: {  	[sflag:s2] =	ssyncadd.s32 $0xFFFFC000  }
0x56: {  	_ =	sfence.sel $0x180000  }
0x57: {  	s3 =	simm.s32 $0x2;
	[bflag:$0x0] =	sbarrier.arrive $0xFFFF  }
0x58: {  	[sflag:s3] =	ssyncpa.u1 $0x1  }
0x59: {  	s31 =	simm.s32 $0x1;
	[sflag:s2] =	ssyncpa.u1 $0x1  }
0x5a: {  	[sflag:s31] =	ssyncpa.u1 $0x1  }
0x5b: {  	p0 =	sne.s32 s1, $0x0;
	_ =	strace $0x9000004A  }
0x5c: {  	s0 =	sadd.s32 @!p0 $0x100000, s0;
	[bflag:$0x2] =	sbarrier.arrive $0xFFFF  }
0x5d: {  	[sflag:s0] =	ssyncadd.tile.s32 @!p0 $0x1;
	_ =	shalt  }
.Lfunc_end2:
_tile_overlayer_lowered:
.L_overlay_start_2:
0x5e: {  	(tag) =	ssettag $0x2  }
0x5f: {  	s0 =	rddreg [dreg:$0x0];
	s2 =	stileid.u32  }
0x60: {  	s1 =	rddreg [dreg:$0x1];
	p0 =	sne.s32 s2, $0x0  }
0x61: {  	s3 =	rddreg [dreg:$0x2];
	[bflag:$0x3] =	sbarrier.arrive $0xFFFF;
	s2 =	simm.s32 @!p0 $0x1C01  }
0x62: {  	[timem:s3], [sflag:s2] =	dma.local @!p0 [hbm:s0], s1  }
0x63: {  	s0 =	simm.s32 @!p0 $0x1  }
0x64: {  	_ =	swait.ge @!p0 [sflag:s0], s1  }
0x65: {  	s1 =	ssub.s32 @!p0 $0x0, s1;
	[sflag:s0] =	ssyncset.done @!p0 $0x0  }
0x66: {  	[sflag:s0] =	ssyncadd.s32 @!p0 s1  }
0x67: {  	[bflag:$0x3] =	sbarrier.arrive $0xFFFF  }
0x68: {  	_ =	shalt  }

</sc_bundles>
